<compile_context>
chip_gen: v7x
topology: tpu7x:2x2x1
jax: 0.10.2.dev20260603
libtpu: 0.0.44.dev20260713+nightly
codegen_flags: <defaults>
</compile_context>

<pallas_src>
import functools

import jax
import jax.numpy as jnp
from jax import lax
from jax.experimental import pallas as pl
from jax.experimental.pallas import tpu as pltpu
from jax.experimental.pallas import tpu_sc as plsc

N = 10000
E = 320000
DN = 128
DE = 16

NSUB = 16
EP = E // NSUB
ECP = 2688
EC = E // 8 + 64
NPAD = 10240
VPT = NPAD // NSUB
L = 16


def _tc_body(nf_ref, ef_ref, ei_ref, wn_ref, wp_ref,
             s2_ref, el_ref, eip_ref):
    ctr = (((1,), (1,)), ((), ()))
    s2_ref[...] = lax.dot_general(wn_ref[...], nf_ref[...], ctr,
                                  preferred_element_type=jnp.float32)
    el = lax.dot_general(wp_ref[...], ef_ref[...], ctr,
                         preferred_element_type=jnp.float32)
    el_ref[...] = jnp.concatenate(
        [el, jnp.zeros((8, EC - E // 8), jnp.float32)], axis=1)
    eip_ref[...] = (ei_ref[0, :] << 16) | ei_ref[1, :]


def _sc_softmax(s2t, elt, eip):
    mesh = plsc.VectorSubcoreMesh(core_axis_name="c", subcore_axis_name="s",
                                  num_cores=1)

    @functools.partial(
        pl.kernel,
        out_type=jax.ShapeDtypeStruct((E,), jnp.float32),
        mesh=mesh,
        compiler_params=pltpu.CompilerParams(needs_layout_passes=False),
        scratch_types=[
            pltpu.VMEM((2, N), jnp.float32),
            pltpu.VMEM((EP,), jnp.int32),
            pltpu.VMEM((8, ECP), jnp.float32),
            pltpu.VMEM((EP,), jnp.float32),
            pltpu.VMEM((NPAD,), jnp.float32),
            pltpu.VMEM((NPAD,), jnp.float32),
            pltpu.VMEM((VPT,), jnp.float32),
            pltpu.VMEM_SHARED((NSUB, NPAD), jnp.float32),
            pltpu.VMEM_SHARED((NPAD,), jnp.float32),
        ],
    )
    def k(s2t_hbm, elt_hbm, ei_hbm, out_hbm,
          s2_v, eiv, elt_v, eexp_v, denom_v, dtot_v, red_v, all_d, tot_d):
        s = lax.axis_index("s")
        base = s * EP
        cbase = s * (EP // 8)
        st_e = (cbase // 128) * 128
        off_e = cbase - st_e

        pltpu.sync_copy(s2t_hbm, s2_v)
        pltpu.sync_copy(ei_hbm.at[pl.ds(base, EP)], eiv)
        pltpu.sync_copy(elt_hbm.at[:, pl.ds(st_e, ECP)], elt_v)

        zeros16 = jnp.zeros((L,), jnp.int32)
        ones16 = jnp.ones((L,), jnp.int32)
        fzeros = jnp.zeros((L,), jnp.float32)
        iota = lax.iota(jnp.int32, L)

        def zero_body(i, _):
            denom_v[pl.ds(i * L, L)] = fzeros
            return ()
        lax.fori_loop(0, NPAD // L, zero_body, ())

        def edge_body(i, _):
            o = i * L
            iv_l = iota + o
            elv = plsc.load_gather(elt_v, [iv_l & 7, (iv_l >> 3) + off_e])
            iv = eiv[pl.ds(o, L)]
            iv_s = iv >> 16
            iv_d = iv & 0xFFFF
            e = (plsc.load_gather(s2_v, [zeros16, iv_s])
                 + plsc.load_gather(s2_v, [ones16, iv_d])
                 + elv)
            x = jnp.exp(e)
            eexp_v[pl.ds(o, L)] = x
            plsc.addupdate_scatter(denom_v, [iv_d], x)
            return ()
        lax.fori_loop(0, EP // L, edge_body, ())

        pltpu.sync_copy(denom_v, all_d.at[s])
        plsc.subcore_barrier()

        col = s * VPT
        for t in range(NSUB):
            pltpu.sync_copy(all_d.at[t, pl.ds(col, VPT)],
                            denom_v.at[pl.ds(t * VPT, VPT)])

        def red_body(j, _):
            acc = denom_v[pl.ds(j * L, L)]
            for t in range(1, NSUB):
                acc = acc + denom_v[pl.ds(t * VPT + j * L, L)]
            red_v[pl.ds(j * L, L)] = acc
            return ()
        lax.fori_loop(0, VPT // L, red_body, ())

        pltpu.sync_copy(red_v, tot_d.at[pl.ds(col, VPT)])
        plsc.subcore_barrier()

        pltpu.sync_copy(tot_d, dtot_v)

        def div_body(i, _):
            o = i * L
            iv_d = eiv[pl.ds(o, L)] & 0xFFFF
            d = plsc.load_gather(dtot_v, [iv_d])
            eexp_v[pl.ds(o, L)] = eexp_v[pl.ds(o, L)] / d + 0.5
            return ()
        lax.fori_loop(0, EP // L, div_body, ())

        pltpu.sync_copy(eexp_v, out_hbm.at[pl.ds(base, EP)])

    return k(s2t, elt, eip)


def kernel(node_feat, edge_index, edge_feat, w_src, w_dst, w_edge):
    wn2 = jnp.stack([w_src, w_dst])
    cols = jnp.arange(DN)
    wpt = (jnp.tile(w_edge, DN // DE)[None, :]
           * (cols[None, :] // DE == jnp.arange(8)[:, None]))
    ef = edge_feat.reshape(E // 8, DN)

    s2t, elt, eip = pl.pallas_call(
        _tc_body,
        out_shape=(jax.ShapeDtypeStruct((2, N), jnp.float32),
                   jax.ShapeDtypeStruct((8, EC), jnp.float32),
                   jax.ShapeDtypeStruct((E,), jnp.int32)),
    )(node_feat, ef, edge_index, wn2, wpt)

    return _sc_softmax(s2t, elt, eip)

# --- scband reference (transcript-rebuilt; emitter-appended) ---
"""Pipeline reference for scband-edge-pooling-7902739824898 (READ-ONLY COPY).

The authoritative reference and input builder live on the scoring server;
editing this copy changes nothing except your own understanding.
"""

import jax, jax.numpy as jnp
import numpy as np

N_NODES = 10000
N_EDGES = 320000
D_NODE = 128
D_EDGE = 16


def setup_inputs(seed: int = 0) -> dict:
    key = jax.random.key(seed)
    ks = jax.random.split(key, 6)
    node_feat = jax.random.normal(ks[0], (N_NODES, D_NODE), dtype=jnp.float32)
    edge_index = jax.random.randint(ks[1], (2, N_EDGES), 0, N_NODES, dtype=jnp.int32)
    edge_feat = jax.random.normal(ks[2], (N_EDGES, D_EDGE), dtype=jnp.float32)
    # learned parameters: linear_src / linear_dst / linear_edge, all (d -> 1), no bias
    w_src = jax.random.normal(ks[3], (D_NODE,), dtype=jnp.float32) / np.sqrt(D_NODE)
    w_dst = jax.random.normal(ks[4], (D_NODE,), dtype=jnp.float32) / np.sqrt(D_NODE)
    w_edge = jax.random.normal(ks[5], (D_EDGE,), dtype=jnp.float32) / np.sqrt(D_EDGE)
    return {"node_feat": node_feat, "edge_index": edge_index, "edge_feat": edge_feat,
            "w_src": w_src, "w_dst": w_dst, "w_edge": w_edge}


def reference(node_feat, edge_index, edge_feat, w_src, w_dst, w_edge):
    # EdgePooling edge-score computation (eval mode: dropout p=0 is identity)
    src = edge_index[0]
    dst = edge_index[1]
    n = node_feat.shape[0]
    # per-node scalar projections (linear_src / linear_dst, bias-free)
    s_src = node_feat @ w_src  # [N]
    s_dst = node_feat @ w_dst  # [N]
    # apply_edges(fn.u_add_v): gather per edge
    e = s_src[src] + s_dst[dst]  # [E]
    # edge feature contribution (linear_edge)
    e = e + edge_feat @ w_edge  # [E]
    # edge_softmax: softmax over incoming edges of each dst node
    m = jax.ops.segment_max(e, dst, num_segments=n)  # [N]
    e_exp = jnp.exp(e - m[dst])
    denom = jax.ops.segment_sum(e_exp, dst, num_segments=n)  # [N]
    score = e_exp / denom[dst]
    # add_to_edge_score for unpool stability
    score = score + 0.5
    return score

if __name__ == "__main__":
    import jax
    _d = setup_inputs()
    print(jax.jit(kernel)(*tuple(_d.values())))

</pallas_src>

<mosaic_0001>
#map = affine_map<(d0, d1) -> (0, 0)>
#map1 = affine_map<(d0, d1) -> (0)>
module attributes {stable_mosaic.version = 14 : i64} {
  func.func @k(%arg0: i32, %arg1: i32, %arg2: memref<2x10000xf32, #tpu.memory_space<hbm>>, %arg3: memref<8x40064xf32, #tpu.memory_space<hbm>>, %arg4: memref<320000xi32, #tpu.memory_space<hbm>>, %arg5: memref<320000xf32, #tpu.memory_space<hbm>>, %arg6: memref<2x10000xf32, #tpu.memory_space<vmem>>, %arg7: memref<20000xi32, #tpu.memory_space<vmem>>, %arg8: memref<8x2688xf32, #tpu.memory_space<vmem>>, %arg9: memref<20000xf32, #tpu.memory_space<vmem>>, %arg10: memref<10240xf32, #tpu.memory_space<vmem>>, %arg11: memref<10240xf32, #tpu.memory_space<vmem>>, %arg12: memref<640xf32, #tpu.memory_space<vmem>>, %arg13: memref<16x10240xf32, #tpu.memory_space<vmem_shared>>, %arg14: memref<10240xf32, #tpu.memory_space<vmem_shared>>) attributes {dimension_semantics = [#tpu.dimension_semantics<core_parallel>, #tpu.dimension_semantics<subcore_parallel>], iteration_bounds = array<i64: 1, 16>, scalar_prefetch = 0 : i64, scratch_operands = 9 : i64, tpu.core_type = #tpu.core_type<sc_vector_subcore>, window_params = [{transform_indices = #map}, {transform_indices = #map}, {transform_indices = #map1}, {transform_indices = #map1}]} {
    %mul3A = arith.constant 20000 : i32
    %mul3A_0 = arith.muli %arg1, %mul3A : i32
    %mul3A_1 = arith.constant 2500 : i32
    %mul3A_2 = arith.muli %arg1, %mul3A_1 : i32
    %jit3A = arith.constant 128 : i32
    %div3A = arith.divsi %mul3A_2, %jit3A : i32
    %sign3A = arith.constant 0 : i32
    %sign3A_3 = arith.cmpi sgt, %mul3A_2, %sign3A : i32
    %sign3A_4 = arith.extui %sign3A_3 : i1 to i32
    %sign3A_5 = arith.constant 0 : i32
    %sign3A_6 = arith.cmpi slt, %mul3A_2, %sign3A_5 : i32
    %sign3A_7 = arith.extui %sign3A_6 : i1 to i32
    %sign3A_8 = arith.subi %sign3A_4, %sign3A_7 : i32
    %sign3A_9 = arith.constant 0 : i32
    %sign3A_10 = arith.cmpi sgt, %jit3A, %sign3A_9 : i32
    %sign3A_11 = arith.extui %sign3A_10 : i1 to i32
    %sign3A_12 = arith.constant 0 : i32
    %sign3A_13 = arith.cmpi slt, %jit3A, %sign3A_12 : i32
    %sign3A_14 = arith.extui %sign3A_13 : i1 to i32
    %sign3A_15 = arith.subi %sign3A_11, %sign3A_14 : i32
    %ne3A = arith.cmpi ne, %sign3A_8, %sign3A_15 : i32
    %rem3A = arith.remsi %mul3A_2, %jit3A : i32
    %ne3A_16 = arith.constant 0 : i32
    %ne3A_17 = arith.cmpi ne, %rem3A, %ne3A_16 : i32
    %and3A = arith.andi %ne3A, %ne3A_17 : i1
    %sub3A = arith.constant 1 : i32
    %sub3A_18 = arith.subi %div3A, %sub3A : i32
    %select_n3A = arith.select %and3A, %sub3A_18, %div3A : i32
    %mul3A_19 = arith.constant 128 : i32
    %mul3A_20 = arith.muli %select_n3A, %mul3A_19 : i32
    %sub3A_21 = arith.subi %mul3A_2, %mul3A_20 : i32
    "tpu.region"() ({
      %run_scoped3A_64 = tpu.sem_alloc : memref<!tpu.dma_semaphore, #tpu.memory_space<semaphore_mem>>
      tpu.enqueue_dma source(%arg2 : memref<2x10000xf32, #tpu.memory_space<hbm>>) target(%arg6 : memref<2x10000xf32, #tpu.memory_space<vmem>>) target_semaphore(%run_scoped3A_64 : memref<!tpu.dma_semaphore, #tpu.memory_space<semaphore_mem>>)
      tpu.wait_dma2 semaphore(%run_scoped3A_64 : memref<!tpu.dma_semaphore, #tpu.memory_space<semaphore_mem>>) src(%arg2 : memref<2x10000xf32, #tpu.memory_space<hbm>>) dst(%arg6 : memref<2x10000xf32, #tpu.memory_space<vmem>>)
      tpu.yield
    }) : () -> ()
    "tpu.region"() ({
      %run_scoped3A_64 = tpu.sem_alloc : memref<!tpu.dma_semaphore, #tpu.memory_space<semaphore_mem>>
      %dma_start3A = tpu.memref_slice %arg4[%mul3A_0] : memref<320000xi32, #tpu.memory_space<hbm>> -> memref<20000xi32, #tpu.memory_space<hbm>>
      %dma_start3A_65 = tpu.memref_slice %arg4[%mul3A_0] : memref<320000xi32, #tpu.memory_space<hbm>> -> memref<20000xi32, #tpu.memory_space<hbm>>
      tpu.enqueue_dma source(%dma_start3A_65 : memref<20000xi32, #tpu.memory_space<hbm>>) target(%arg7 : memref<20000xi32, #tpu.memory_space<vmem>>) target_semaphore(%run_scoped3A_64 : memref<!tpu.dma_semaphore, #tpu.memory_space<semaphore_mem>>)
      %dma_wait3A = tpu.memref_slice %arg4[%mul3A_0] : memref<320000xi32, #tpu.memory_space<hbm>> -> memref<20000xi32, #tpu.memory_space<hbm>>
      %dma_wait3A_66 = tpu.memref_slice %arg4[%mul3A_0] : memref<320000xi32, #tpu.memory_space<hbm>> -> memref<20000xi32, #tpu.memory_space<hbm>>
      tpu.wait_dma2 semaphore(%run_scoped3A_64 : memref<!tpu.dma_semaphore, #tpu.memory_space<semaphore_mem>>) src(%dma_wait3A_66 : memref<20000xi32, #tpu.memory_space<hbm>>) dst(%arg7 : memref<20000xi32, #tpu.memory_space<vmem>>)
      tpu.yield
    }) : () -> ()
    "tpu.region"() ({
      %run_scoped3A_64 = tpu.sem_alloc : memref<!tpu.dma_semaphore, #tpu.memory_space<semaphore_mem>>
      %dma_start3A = arith.constant 0 : i32
      %dma_start3A_65 = tpu.memref_slice %arg3[%dma_start3A, %mul3A_20] : memref<8x40064xf32, #tpu.memory_space<hbm>> -> memref<8x2688xf32, #tpu.memory_space<hbm>>
      %dma_start3A_66 = arith.constant 0 : i32
      %dma_start3A_67 = tpu.memref_slice %arg3[%dma_start3A_66, %mul3A_20] : memref<8x40064xf32, #tpu.memory_space<hbm>> -> memref<8x2688xf32, #tpu.memory_space<hbm>>
      tpu.enqueue_dma source(%dma_start3A_67 : memref<8x2688xf32, #tpu.memory_space<hbm>>) target(%arg8 : memref<8x2688xf32, #tpu.memory_space<vmem>>) target_semaphore(%run_scoped3A_64 : memref<!tpu.dma_semaphore, #tpu.memory_space<semaphore_mem>>)
      %dma_wait3A = arith.constant 0 : i32
      %dma_wait3A_68 = tpu.memref_slice %arg3[%dma_wait3A, %mul3A_20] : memref<8x40064xf32, #tpu.memory_space<hbm>> -> memref<8x2688xf32, #tpu.memory_space<hbm>>
      %dma_wait3A_69 = arith.constant 0 : i32
      %dma_wait3A_70 = tpu.memref_slice %arg3[%dma_wait3A_69, %mul3A_20] : memref<8x40064xf32, #tpu.memory_space<hbm>> -> memref<8x2688xf32, #tpu.memory_space<hbm>>
      tpu.wait_dma2 semaphore(%run_scoped3A_64 : memref<!tpu.dma_semaphore, #tpu.memory_space<semaphore_mem>>) src(%dma_wait3A_70 : memref<8x2688xf32, #tpu.memory_space<hbm>>) dst(%arg8 : memref<8x2688xf32, #tpu.memory_space<vmem>>)
      tpu.yield
    }) : () -> ()
    %broadcast_in_dim3A = arith.constant 0 : i32
    %broadcast_in_dim3A_22 = vector.broadcast %broadcast_in_dim3A : i32 to vector<16xi32>
    %broadcast_in_dim3A_23 = arith.constant 1 : i32
    %broadcast_in_dim3A_24 = vector.broadcast %broadcast_in_dim3A_23 : i32 to vector<16xi32>
    %broadcast_in_dim3A_25 = arith.constant 0.000000e+00 : f32
    %broadcast_in_dim3A_26 = vector.broadcast %broadcast_in_dim3A_25 : f32 to vector<16xf32>
    %iota3A = tpu.iota {dimensions = array<i32: 0>} : vector<16xi32>
    %scan3A = arith.constant 0 : i32
    %scan3A_27 = arith.constant 640 : i32
    %scan3A_28 = arith.addi %scan3A, %scan3A_27 : i32
    %scan3A_29 = arith.constant 1 : i32
    scf.for %scan3A_64 = %scan3A to %scan3A_28 step %scan3A_29  : i32 {
      %mul3A_65 = arith.constant 16 : i32
      %mul3A_66 = arith.muli %scan3A_64, %mul3A_65 : i32
      %swap3A = arith.index_cast %mul3A_66 : i32 to index
      %swap3A_67 = tpu.vector_load %arg10[%swap3A] {strides = array<i32>} : memref<10240xf32, #tpu.memory_space<vmem>>, vector<16xf32>,
      tpu.vector_store %arg10[%swap3A], %broadcast_in_dim3A_26 {strides = array<i32>} : memref<10240xf32, #tpu.memory_space<vmem>>, vector<16xf32>,
    }
    %scan3A_30 = arith.constant 640 : i32
    %scan3A_31 = arith.constant 0 : i32
    %scan3A_32 = arith.constant 1250 : i32
    %scan3A_33 = arith.addi %scan3A_31, %scan3A_32 : i32
    %scan3A_34 = arith.constant 1 : i32
    scf.for %scan3A_64 = %scan3A_31 to %scan3A_33 step %scan3A_34  : i32 {
      %mul3A_65 = arith.constant 16 : i32
      %mul3A_66 = arith.muli %scan3A_64, %mul3A_65 : i32
      %add3A = vector.broadcast %mul3A_66 : i32 to vector<16xi32>
      %add3A_67 = arith.addi %iota3A, %add3A : vector<16xi32>
      %and3A_68 = arith.constant 7 : i32
      %and3A_69 = vector.broadcast %and3A_68 : i32 to vector<16xi32>
      %and3A_70 = arith.andi %add3A_67, %and3A_69 : vector<16xi32>
      %shift_right_arithmetic3A = arith.constant 3 : i32
      %shift_right_arithmetic3A_71 = vector.broadcast %shift_right_arithmetic3A : i32 to vector<16xi32>
      %shift_right_arithmetic3A_72 = arith.shrsi %add3A_67, %shift_right_arithmetic3A_71 : vector<16xi32>
      %add3A_73 = vector.broadcast %sub3A_21 : i32 to vector<16xi32>
      %add3A_74 = arith.addi %shift_right_arithmetic3A_72, %add3A_73 : vector<16xi32>
      %gather3A = tpu.vector_load_idx %arg8[%and3A_70, %add3A_74] : memref<8x2688xf32, #tpu.memory_space<vmem>>[vector<16xi32>, vector<16xi32>], vector<16xf32>,
      %get3A = arith.index_cast %mul3A_66 : i32 to index
      %get3A_75 = tpu.vector_load %arg7[%get3A] {strides = array<i32>} : memref<20000xi32, #tpu.memory_space<vmem>>, vector<16xi32>,
      %shift_right_arithmetic3A_76 = arith.constant 16 : i32
      %shift_right_arithmetic3A_77 = vector.broadcast %shift_right_arithmetic3A_76 : i32 to vector<16xi32>
      %shift_right_arithmetic3A_78 = arith.shrsi %get3A_75, %shift_right_arithmetic3A_77 : vector<16xi32>
      %and3A_79 = arith.constant 65535 : i32
      %and3A_80 = vector.broadcast %and3A_79 : i32 to vector<16xi32>
      %and3A_81 = arith.andi %get3A_75, %and3A_80 : vector<16xi32>
      %gather3A_82 = tpu.vector_load_idx %arg6[%broadcast_in_dim3A_22, %shift_right_arithmetic3A_78] : memref<2x10000xf32, #tpu.memory_space<vmem>>[vector<16xi32>, vector<16xi32>], vector<16xf32>,
      %gather3A_83 = tpu.vector_load_idx %arg6[%broadcast_in_dim3A_24, %and3A_81] : memref<2x10000xf32, #tpu.memory_space<vmem>>[vector<16xi32>, vector<16xi32>], vector<16xf32>,
      %add3A_84 = arith.addf %gather3A_82, %gather3A_83 : vector<16xf32>
      %add3A_85 = arith.addf %add3A_84, %gather3A : vector<16xf32>
      %exp3A = math.exp %add3A_85 : vector<16xf32>
      %swap3A = arith.index_cast %mul3A_66 : i32 to index
      %swap3A_86 = tpu.vector_load %arg9[%swap3A] {strides = array<i32>} : memref<20000xf32, #tpu.memory_space<vmem>>, vector<16xf32>,
      tpu.vector_store %arg9[%swap3A], %exp3A {strides = array<i32>} : memref<20000xf32, #tpu.memory_space<vmem>>, vector<16xf32>,
      tpu.vector_store_idx %arg10[%and3A_81], %exp3A {add = true} : memref<10240xf32, #tpu.memory_space<vmem>>[vector<16xi32>], vector<16xf32>,
    }
    %scan3A_35 = arith.constant 1250 : i32
    "tpu.region"() ({
      %run_scoped3A_64 = tpu.sem_alloc : memref<!tpu.dma_semaphore, #tpu.memory_space<semaphore_mem>>
      %dma_start3A = arith.constant 0 : i32
      %dma_start3A_65 = tpu.memref_slice %arg13[%arg1, %dma_start3A] : memref<16x10240xf32, #tpu.memory_space<vmem_shared>> -> memref<1x10240xf32, #tpu.memory_space<vmem_shared>>
      %dma_start3A_66 = tpu.memref_squeeze %dma_start3A_65 : memref<1x10240xf32, #tpu.memory_space<vmem_shared>> -> memref<10240xf32, #tpu.memory_space<vmem_shared>>
      %dma_start3A_67 = arith.constant 0 : i32
      %dma_start3A_68 = tpu.memref_slice %arg13[%arg1, %dma_start3A_67] : memref<16x10240xf32, #tpu.memory_space<vmem_shared>> -> memref<1x10240xf32, #tpu.memory_space<vmem_shared>>
      %dma_start3A_69 = tpu.memref_squeeze %dma_start3A_68 : memref<1x10240xf32, #tpu.memory_space<vmem_shared>> -> memref<10240xf32, #tpu.memory_space<vmem_shared>>
      tpu.enqueue_dma source(%arg10 : memref<10240xf32, #tpu.memory_space<vmem>>) target(%dma_start3A_69 : memref<10240xf32, #tpu.memory_space<vmem_shared>>) target_semaphore(%run_scoped3A_64 : memref<!tpu.dma_semaphore, #tpu.memory_space<semaphore_mem>>)
      %dma_wait3A = arith.constant 0 : i32
      %dma_wait3A_70 = tpu.memref_slice %arg13[%arg1, %dma_wait3A] : memref<16x10240xf32, #tpu.memory_space<vmem_shared>> -> memref<1x10240xf32, #tpu.memory_space<vmem_shared>>
      %dma_wait3A_71 = tpu.memref_squeeze %dma_wait3A_70 : memref<1x10240xf32, #tpu.memory_space<vmem_shared>> -> memref<10240xf32, #tpu.memory_space<vmem_shared>>
      %dma_wait3A_72 = arith.constant 0 : i32
      %dma_wait3A_73 = tpu.memref_slice %arg13[%arg1, %dma_wait3A_72] : memref<16x10240xf32, #tpu.memory_space<vmem_shared>> -> memref<1x10240xf32, #tpu.memory_space<vmem_shared>>
      %dma_wait3A_74 = tpu.memref_squeeze %dma_wait3A_73 : memref<1x10240xf32, #tpu.memory_space<vmem_shared>> -> memref<10240xf32, #tpu.memory_space<vmem_shared>>
      tpu.wait_dma2 semaphore(%run_scoped3A_64 : memref<!tpu.dma_semaphore, #tpu.memory_space<semaphore_mem>>) src(%arg10 : memref<10240xf32, #tpu.memory_space<vmem>>) dst(%dma_wait3A_74 : memref<10240xf32, #tpu.memory_space<vmem_shared>>)
      tpu.yield
    }) : () -> ()
    %barrier3A = arith.constant 0 : index
    tpu.barrier barrier_id(%barrier3A)
    %mul3A_36 = arith.constant 640 : i32
    %mul3A_37 = arith.muli %arg1, %mul3A_36 : i32
    %run_scoped3A = arith.constant 0 : i32
    "tpu.region"() ({
      %run_scoped3A_64 = tpu.sem_alloc : memref<!tpu.dma_semaphore, #tpu.memory_space<semaphore_mem>>
      %dma_start3A = arith.constant 0 : i32
      %dma_start3A_65 = tpu.memref_slice %arg10[%dma_start3A] : memref<10240xf32, #tpu.memory_space<vmem>> -> memref<640xf32, #tpu.memory_space<vmem>>
      %dma_start3A_66 = tpu.memref_slice %arg13[%run_scoped3A, %mul3A_37] : memref<16x10240xf32, #tpu.memory_space<vmem_shared>> -> memref<1x640xf32, #tpu.memory_space<vmem_shared>>
      %dma_start3A_67 = tpu.memref_squeeze %dma_start3A_66 : memref<1x640xf32, #tpu.memory_space<vmem_shared>> -> memref<640xf32, #tpu.memory_space<vmem_shared>>
      %dma_start3A_68 = arith.constant 0 : i32
      %dma_start3A_69 = tpu.memref_slice %arg10[%dma_start3A_68] : memref<10240xf32, #tpu.memory_space<vmem>> -> memref<640xf32, #tpu.memory_space<vmem>>
      %dma_start3A_70 = tpu.memref_slice %arg13[%run_scoped3A, %mul3A_37] : memref<16x10240xf32, #tpu.memory_space<vmem_shared>> -> memref<1x640xf32, #tpu.memory_space<vmem_shared>>
      %dma_start3A_71 = tpu.memref_squeeze %dma_start3A_70 : memref<1x640xf32, #tpu.memory_space<vmem_shared>> -> memref<640xf32, #tpu.memory_space<vmem_shared>>
      tpu.enqueue_dma source(%dma_start3A_71 : memref<640xf32, #tpu.memory_space<vmem_shared>>) target(%dma_start3A_69 : memref<640xf32, #tpu.memory_space<vmem>>) target_semaphore(%run_scoped3A_64 : memref<!tpu.dma_semaphore, #tpu.memory_space<semaphore_mem>>)
      %dma_wait3A = arith.constant 0 : i32
      %dma_wait3A_72 = tpu.memref_slice %arg10[%dma_wait3A] : memref<10240xf32, #tpu.memory_space<vmem>> -> memref<640xf32, #tpu.memory_space<vmem>>
      %dma_wait3A_73 = tpu.memref_slice %arg13[%run_scoped3A, %mul3A_37] : memref<16x10240xf32, #tpu.memory_space<vmem_shared>> -> memref<1x640xf32, #tpu.memory_space<vmem_shared>>
      %dma_wait3A_74 = tpu.memref_squeeze %dma_wait3A_73 : memref<1x640xf32, #tpu.memory_space<vmem_shared>> -> memref<640xf32, #tpu.memory_space<vmem_shared>>
      %dma_wait3A_75 = arith.constant 0 : i32
      %dma_wait3A_76 = tpu.memref_slice %arg10[%dma_wait3A_75] : memref<10240xf32, #tpu.memory_space<vmem>> -> memref<640xf32, #tpu.memory_space<vmem>>
      %dma_wait3A_77 = tpu.memref_slice %arg13[%run_scoped3A, %mul3A_37] : memref<16x10240xf32, #tpu.memory_space<vmem_shared>> -> memref<1x640xf32, #tpu.memory_space<vmem_shared>>
      %dma_wait3A_78 = tpu.memref_squeeze %dma_wait3A_77 : memref<1x640xf32, #tpu.memory_space<vmem_shared>> -> memref<640xf32, #tpu.memory_space<vmem_shared>>
      tpu.wait_dma2 semaphore(%run_scoped3A_64 : memref<!tpu.dma_semaphore, #tpu.memory_space<semaphore_mem>>) src(%dma_wait3A_78 : memref<640xf32, #tpu.memory_space<vmem_shared>>) dst(%dma_wait3A_76 : memref<640xf32, #tpu.memory_space<vmem>>)
      tpu.yield
    }) : () -> ()
    %run_scoped3A_38 = arith.constant 1 : i32
    "tpu.region"() ({
      %run_scoped3A_64 = tpu.sem_alloc : memref<!tpu.dma_semaphore, #tpu.memory_space<semaphore_mem>>
      %dma_start3A = arith.constant 640 : i32
      %dma_start3A_65 = tpu.memref_slice %arg10[%dma_start3A] : memref<10240xf32, #tpu.memory_space<vmem>> -> memref<640xf32, #tpu.memory_space<vmem>>
      %dma_start3A_66 = tpu.memref_slice %arg13[%run_scoped3A_38, %mul3A_37] : memref<16x10240xf32, #tpu.memory_space<vmem_shared>> -> memref<1x640xf32, #tpu.memory_space<vmem_shared>>
      %dma_start3A_67 = tpu.memref_squeeze %dma_start3A_66 : memref<1x640xf32, #tpu.memory_space<vmem_shared>> -> memref<640xf32, #tpu.memory_space<vmem_shared>>
      %dma_start3A_68 = arith.constant 640 : i32
      %dma_start3A_69 = tpu.memref_slice %arg10[%dma_start3A_68] : memref<10240xf32, #tpu.memory_space<vmem>> -> memref<640xf32, #tpu.memory_space<vmem>>
      %dma_start3A_70 = tpu.memref_slice %arg13[%run_scoped3A_38, %mul3A_37] : memref<16x10240xf32, #tpu.memory_space<vmem_shared>> -> memref<1x640xf32, #tpu.memory_space<vmem_shared>>
      %dma_start3A_71 = tpu.memref_squeeze %dma_start3A_70 : memref<1x640xf32, #tpu.memory_space<vmem_shared>> -> memref<640xf32, #tpu.memory_space<vmem_shared>>
      tpu.enqueue_dma source(%dma_start3A_71 : memref<640xf32, #tpu.memory_space<vmem_shared>>) target(%dma_start3A_69 : memref<640xf32, #tpu.memory_space<vmem>>) target_semaphore(%run_scoped3A_64 : memref<!tpu.dma_semaphore, #tpu.memory_space<semaphore_mem>>)
      %dma_wait3A = arith.constant 640 : i32
      %dma_wait3A_72 = tpu.memref_slice %arg10[%dma_wait3A] : memref<10240xf32, #tpu.memory_space<vmem>> -> memref<640xf32, #tpu.memory_space<vmem>>
      %dma_wait3A_73 = tpu.memref_slice %arg13[%run_scoped3A_38, %mul3A_37] : memref<16x10240xf32, #tpu.memory_space<vmem_shared>> -> memref<1x640xf32, #tpu.memory_space<vmem_shared>>
      %dma_wait3A_74 = tpu.memref_squeeze %dma_wait3A_73 : memref<1x640xf32, #tpu.memory_space<vmem_shared>> -> memref<640xf32, #tpu.memory_space<vmem_shared>>
      %dma_wait3A_75 = arith.constant 640 : i32
      %dma_wait3A_76 = tpu.memref_slice %arg10[%dma_wait3A_75] : memref<10240xf32, #tpu.memory_space<vmem>> -> memref<640xf32, #tpu.memory_space<vmem>>
      %dma_wait3A_77 = tpu.memref_slice %arg13[%run_scoped3A_38, %mul3A_37] : memref<16x10240xf32, #tpu.memory_space<vmem_shared>> -> memref<1x640xf32, #tpu.memory_space<vmem_shared>>
      %dma_wait3A_78 = tpu.memref_squeeze %dma_wait3A_77 : memref<1x640xf32, #tpu.memory_space<vmem_shared>> -> memref<640xf32, #tpu.memory_space<vmem_shared>>
      tpu.wait_dma2 semaphore(%run_scoped3A_64 : memref<!tpu.dma_semaphore, #tpu.memory_space<semaphore_mem>>) src(%dma_wait3A_78 : memref<640xf32, #tpu.memory_space<vmem_shared>>) dst(%dma_wait3A_76 : memref<640xf32, #tpu.memory_space<vmem>>)
      tpu.yield
    }) : () -> ()
    %run_scoped3A_39 = arith.constant 2 : i32
    "tpu.region"() ({
      %run_scoped3A_64 = tpu.sem_alloc : memref<!tpu.dma_semaphore, #tpu.memory_space<semaphore_mem>>
      %dma_start3A = arith.constant 1280 : i32
      %dma_start3A_65 = tpu.memref_slice %arg10[%dma_start3A] : memref<10240xf32, #tpu.memory_space<vmem>> -> memref<640xf32, #tpu.memory_space<vmem>>
      %dma_start3A_66 = tpu.memref_slice %arg13[%run_scoped3A_39, %mul3A_37] : memref<16x10240xf32, #tpu.memory_space<vmem_shared>> -> memref<1x640xf32, #tpu.memory_space<vmem_shared>>
      %dma_start3A_67 = tpu.memref_squeeze %dma_start3A_66 : memref<1x640xf32, #tpu.memory_space<vmem_shared>> -> memref<640xf32, #tpu.memory_space<vmem_shared>>
      %dma_start3A_68 = arith.constant 1280 : i32
      %dma_start3A_69 = tpu.memref_slice %arg10[%dma_start3A_68] : memref<10240xf32, #tpu.memory_space<vmem>> -> memref<640xf32, #tpu.memory_space<vmem>>
      %dma_start3A_70 = tpu.memref_slice %arg13[%run_scoped3A_39, %mul3A_37] : memref<16x10240xf32, #tpu.memory_space<vmem_shared>> -> memref<1x640xf32, #tpu.memory_space<vmem_shared>>
      %dma_start3A_71 = tpu.memref_squeeze %dma_start3A_70 : memref<1x640xf32, #tpu.memory_space<vmem_shared>> -> memref<640xf32, #tpu.memory_space<vmem_shared>>
      tpu.enqueue_dma source(%dma_start3A_71 : memref<640xf32, #tpu.memory_space<vmem_shared>>) target(%dma_start3A_69 : memref<640xf32, #tpu.memory_space<vmem>>) target_semaphore(%run_scoped3A_64 : memref<!tpu.dma_semaphore, #tpu.memory_space<semaphore_mem>>)
      %dma_wait3A = arith.constant 1280 : i32
      %dma_wait3A_72 = tpu.memref_slice %arg10[%dma_wait3A] : memref<10240xf32, #tpu.memory_space<vmem>> -> memref<640xf32, #tpu.memory_space<vmem>>
      %dma_wait3A_73 = tpu.memref_slice %arg13[%run_scoped3A_39, %mul3A_37] : memref<16x10240xf32, #tpu.memory_space<vmem_shared>> -> memref<1x640xf32, #tpu.memory_space<vmem_shared>>
      %dma_wait3A_74 = tpu.memref_squeeze %dma_wait3A_73 : memref<1x640xf32, #tpu.memory_space<vmem_shared>> -> memref<640xf32, #tpu.memory_space<vmem_shared>>
      %dma_wait3A_75 = arith.constant 1280 : i32
      %dma_wait3A_76 = tpu.memref_slice %arg10[%dma_wait3A_75] : memref<10240xf32, #tpu.memory_space<vmem>> -> memref<640xf32, #tpu.memory_space<vmem>>
      %dma_wait3A_77 = tpu.memref_slice %arg13[%run_scoped3A_39, %mul3A_37] : memref<16x10240xf32, #tpu.memory_space<vmem_shared>> -> memref<1x640xf32, #tpu.memory_space<vmem_shared>>
      %dma_wait3A_78 = tpu.memref_squeeze %dma_wait3A_77 : memref<1x640xf32, #tpu.memory_space<vmem_shared>> -> memref<640xf32, #tpu.memory_space<vmem_shared>>
      tpu.wait_dma2 semaphore(%run_scoped3A_64 : memref<!tpu.dma_semaphore, #tpu.memory_space<semaphore_mem>>) src(%dma_wait3A_78 : memref<640xf32, #tpu.memory_space<vmem_shared>>) dst(%dma_wait3A_76 : memref<640xf32, #tpu.memory_space<vmem>>)
      tpu.yield
    }) : () -> ()
    %run_scoped3A_40 = arith.constant 3 : i32
    "tpu.region"() ({
      %run_scoped3A_64 = tpu.sem_alloc : memref<!tpu.dma_semaphore, #tpu.memory_space<semaphore_mem>>
      %dma_start3A = arith.constant 1920 : i32
      %dma_start3A_65 = tpu.memref_slice %arg10[%dma_start3A] : memref<10240xf32, #tpu.memory_space<vmem>> -> memref<640xf32, #tpu.memory_space<vmem>>
      %dma_start3A_66 = tpu.memref_slice %arg13[%run_scoped3A_40, %mul3A_37] : memref<16x10240xf32, #tpu.memory_space<vmem_shared>> -> memref<1x640xf32, #tpu.memory_space<vmem_shared>>
      %dma_start3A_67 = tpu.memref_squeeze %dma_start3A_66 : memref<1x640xf32, #tpu.memory_space<vmem_shared>> -> memref<640xf32, #tpu.memory_space<vmem_shared>>
      %dma_start3A_68 = arith.constant 1920 : i32
      %dma_start3A_69 = tpu.memref_slice %arg10[%dma_start3A_68] : memref<10240xf32, #tpu.memory_space<vmem>> -> memref<640xf32, #tpu.memory_space<vmem>>
      %dma_start3A_70 = tpu.memref_slice %arg13[%run_scoped3A_40, %mul3A_37] : memref<16x10240xf32, #tpu.memory_space<vmem_shared>> -> memref<1x640xf32, #tpu.memory_space<vmem_shared>>
      %dma_start3A_71 = tpu.memref_squeeze %dma_start3A_70 : memref<1x640xf32, #tpu.memory_space<vmem_shared>> -> memref<640xf32, #tpu.memory_space<vmem_shared>>
      tpu.enqueue_dma source(%dma_start3A_71 : memref<640xf32, #tpu.memory_space<vmem_shared>>) target(%dma_start3A_69 : memref<640xf32, #tpu.memory_space<vmem>>) target_semaphore(%run_scoped3A_64 : memref<!tpu.dma_semaphore, #tpu.memory_space<semaphore_mem>>)
      %dma_wait3A = arith.constant 1920 : i32
      %dma_wait3A_72 = tpu.memref_slice %arg10[%dma_wait3A] : memref<10240xf32, #tpu.memory_space<vmem>> -> memref<640xf32, #tpu.memory_space<vmem>>
      %dma_wait3A_73 = tpu.memref_slice %arg13[%run_scoped3A_40, %mul3A_37] : memref<16x10240xf32, #tpu.memory_space<vmem_shared>> -> memref<1x640xf32, #tpu.memory_space<vmem_shared>>
      %dma_wait3A_74 = tpu.memref_squeeze %dma_wait3A_73 : memref<1x640xf32, #tpu.memory_space<vmem_shared>> -> memref<640xf32, #tpu.memory_space<vmem_shared>>
      %dma_wait3A_75 = arith.constant 1920 : i32
      %dma_wait3A_76 = tpu.memref_slice %arg10[%dma_wait3A_75] : memref<10240xf32, #tpu.memory_space<vmem>> -> memref<640xf32, #tpu.memory_space<vmem>>
      %dma_wait3A_77 = tpu.memref_slice %arg13[%run_scoped3A_40, %mul3A_37] : memref<16x10240xf32, #tpu.memory_space<vmem_shared>> -> memref<1x640xf32, #tpu.memory_space<vmem_shared>>
      %dma_wait3A_78 = tpu.memref_squeeze %dma_wait3A_77 : memref<1x640xf32, #tpu.memory_space<vmem_shared>> -> memref<640xf32, #tpu.memory_space<vmem_shared>>
      tpu.wait_dma2 semaphore(%run_scoped3A_64 : memref<!tpu.dma_semaphore, #tpu.memory_space<semaphore_mem>>) src(%dma_wait3A_78 : memref<640xf32, #tpu.memory_space<vmem_shared>>) dst(%dma_wait3A_76 : memref<640xf32, #tpu.memory_space<vmem>>)
      tpu.yield
    }) : () -> ()
    %run_scoped3A_41 = arith.constant 4 : i32
    "tpu.region"() ({
      %run_scoped3A_64 = tpu.sem_alloc : memref<!tpu.dma_semaphore, #tpu.memory_space<semaphore_mem>>
      %dma_start3A = arith.constant 2560 : i32
      %dma_start3A_65 = tpu.memref_slice %arg10[%dma_start3A] : memref<10240xf32, #tpu.memory_space<vmem>> -> memref<640xf32, #tpu.memory_space<vmem>>
      %dma_start3A_66 = tpu.memref_slice %arg13[%run_scoped3A_41, %mul3A_37] : memref<16x10240xf32, #tpu.memory_space<vmem_shared>> -> memref<1x640xf32, #tpu.memory_space<vmem_shared>>
      %dma_start3A_67 = tpu.memref_squeeze %dma_start3A_66 : memref<1x640xf32, #tpu.memory_space<vmem_shared>> -> memref<640xf32, #tpu.memory_space<vmem_shared>>
      %dma_start3A_68 = arith.constant 2560 : i32
      %dma_start3A_69 = tpu.memref_slice %arg10[%dma_start3A_68] : memref<10240xf32, #tpu.memory_space<vmem>> -> memref<640xf32, #tpu.memory_space<vmem>>
      %dma_start3A_70 = tpu.memref_slice %arg13[%run_scoped3A_41, %mul3A_37] : memref<16x10240xf32, #tpu.memory_space<vmem_shared>> -> memref<1x640xf32, #tpu.memory_space<vmem_shared>>
      %dma_start3A_71 = tpu.memref_squeeze %dma_start3A_70 : memref<1x640xf32, #tpu.memory_space<vmem_shared>> -> memref<640xf32, #tpu.memory_space<vmem_shared>>
      tpu.enqueue_dma source(%dma_start3A_71 : memref<640xf32, #tpu.memory_space<vmem_shared>>) target(%dma_start3A_69 : memref<640xf32, #tpu.memory_space<vmem>>) target_semaphore(%run_scoped3A_64 : memref<!tpu.dma_semaphore, #tpu.memory_space<semaphore_mem>>)
      %dma_wait3A = arith.constant 2560 : i32
      %dma_wait3A_72 = tpu.memref_slice %arg10[%dma_wait3A] : memref<10240xf32, #tpu.memory_space<vmem>> -> memref<640xf32, #tpu.memory_space<vmem>>
      %dma_wait3A_73 = tpu.memref_slice %arg13[%run_scoped3A_41, %mul3A_37] : memref<16x10240xf32, #tpu.memory_space<vmem_shared>> -> memref<1x640xf32, #tpu.memory_space<vmem_shared>>
      %dma_wait3A_74 = tpu.memref_squeeze %dma_wait3A_73 : memref<1x640xf32, #tpu.memory_space<vmem_shared>> -> memref<640xf32, #tpu.memory_space<vmem_shared>>
      %dma_wait3A_75 = arith.constant 2560 : i32
      %dma_wait3A_76 = tpu.memref_slice %arg10[%dma_wait3A_75] : memref<10240xf32, #tpu.memory_space<vmem>> -> memref<640xf32, #tpu.memory_space<vmem>>
      %dma_wait3A_77 = tpu.memref_slice %arg13[%run_scoped3A_41, %mul3A_37] : memref<16x10240xf32, #tpu.memory_space<vmem_shared>> -> memref<1x640xf32, #tpu.memory_space<vmem_shared>>
      %dma_wait3A_78 = tpu.memref_squeeze %dma_wait3A_77 : memref<1x640xf32, #tpu.memory_space<vmem_shared>> -> memref<640xf32, #tpu.memory_space<vmem_shared>>
      tpu.wait_dma2 semaphore(%run_scoped3A_64 : memref<!tpu.dma_semaphore, #tpu.memory_space<semaphore_mem>>) src(%dma_wait3A_78 : memref<640xf32, #tpu.memory_space<vmem_shared>>) dst(%dma_wait3A_76 : memref<640xf32, #tpu.memory_space<vmem>>)
      tpu.yield
    }) : () -> ()
    %run_scoped3A_42 = arith.constant 5 : i32
    "tpu.region"() ({
      %run_scoped3A_64 = tpu.sem_alloc : memref<!tpu.dma_semaphore, #tpu.memory_space<semaphore_mem>>
      %dma_start3A = arith.constant 3200 : i32
      %dma_start3A_65 = tpu.memref_slice %arg10[%dma_start3A] : memref<10240xf32, #tpu.memory_space<vmem>> -> memref<640xf32, #tpu.memory_space<vmem>>
      %dma_start3A_66 = tpu.memref_slice %arg13[%run_scoped3A_42, %mul3A_37] : memref<16x10240xf32, #tpu.memory_space<vmem_shared>> -> memref<1x640xf32, #tpu.memory_space<vmem_shared>>
      %dma_start3A_67 = tpu.memref_squeeze %dma_start3A_66 : memref<1x640xf32, #tpu.memory_space<vmem_shared>> -> memref<640xf32, #tpu.memory_space<vmem_shared>>
      %dma_start3A_68 = arith.constant 3200 : i32
      %dma_start3A_69 = tpu.memref_slice %arg10[%dma_start3A_68] : memref<10240xf32, #tpu.memory_space<vmem>> -> memref<640xf32, #tpu.memory_space<vmem>>
      %dma_start3A_70 = tpu.memref_slice %arg13[%run_scoped3A_42, %mul3A_37] : memref<16x10240xf32, #tpu.memory_space<vmem_shared>> -> memref<1x640xf32, #tpu.memory_space<vmem_shared>>
      %dma_start3A_71 = tpu.memref_squeeze %dma_start3A_70 : memref<1x640xf32, #tpu.memory_space<vmem_shared>> -> memref<640xf32, #tpu.memory_space<vmem_shared>>
      tpu.enqueue_dma source(%dma_start3A_71 : memref<640xf32, #tpu.memory_space<vmem_shared>>) target(%dma_start3A_69 : memref<640xf32, #tpu.memory_space<vmem>>) target_semaphore(%run_scoped3A_64 : memref<!tpu.dma_semaphore, #tpu.memory_space<semaphore_mem>>)
      %dma_wait3A = arith.constant 3200 : i32
      %dma_wait3A_72 = tpu.memref_slice %arg10[%dma_wait3A] : memref<10240xf32, #tpu.memory_space<vmem>> -> memref<640xf32, #tpu.memory_space<vmem>>
      %dma_wait3A_73 = tpu.memref_slice %arg13[%run_scoped3A_42, %mul3A_37] : memref<16x10240xf32, #tpu.memory_space<vmem_shared>> -> memref<1x640xf32, #tpu.memory_space<vmem_shared>>
      %dma_wait3A_74 = tpu.memref_squeeze %dma_wait3A_73 : memref<1x640xf32, #tpu.memory_space<vmem_shared>> -> memref<640xf32, #tpu.memory_space<vmem_shared>>
      %dma_wait3A_75 = arith.constant 3200 : i32
      %dma_wait3A_76 = tpu.memref_slice %arg10[%dma_wait3A_75] : memref<10240xf32, #tpu.memory_space<vmem>> -> memref<640xf32, #tpu.memory_space<vmem>>
      %dma_wait3A_77 = tpu.memref_slice %arg13[%run_scoped3A_42, %mul3A_37] : memref<16x10240xf32, #tpu.memory_space<vmem_shared>> -> memref<1x640xf32, #tpu.memory_space<vmem_shared>>
      %dma_wait3A_78 = tpu.memref_squeeze %dma_wait3A_77 : memref<1x640xf32, #tpu.memory_space<vmem_shared>> -> memref<640xf32, #tpu.memory_space<vmem_shared>>
      tpu.wait_dma2 semaphore(%run_scoped3A_64 : memref<!tpu.dma_semaphore, #tpu.memory_space<semaphore_mem>>) src(%dma_wait3A_78 : memref<640xf32, #tpu.memory_space<vmem_shared>>) dst(%dma_wait3A_76 : memref<640xf32, #tpu.memory_space<vmem>>)
      tpu.yield
    }) : () -> ()
    %run_scoped3A_43 = arith.constant 6 : i32
    "tpu.region"() ({
      %run_scoped3A_64 = tpu.sem_alloc : memref<!tpu.dma_semaphore, #tpu.memory_space<semaphore_mem>>
      %dma_start3A = arith.constant 3840 : i32
      %dma_start3A_65 = tpu.memref_slice %arg10[%dma_start3A] : memref<10240xf32, #tpu.memory_space<vmem>> -> memref<640xf32, #tpu.memory_space<vmem>>
      %dma_start3A_66 = tpu.memref_slice %arg13[%run_scoped3A_43, %mul3A_37] : memref<16x10240xf32, #tpu.memory_space<vmem_shared>> -> memref<1x640xf32, #tpu.memory_space<vmem_shared>>
      %dma_start3A_67 = tpu.memref_squeeze %dma_start3A_66 : memref<1x640xf32, #tpu.memory_space<vmem_shared>> -> memref<640xf32, #tpu.memory_space<vmem_shared>>
      %dma_start3A_68 = arith.constant 3840 : i32
      %dma_start3A_69 = tpu.memref_slice %arg10[%dma_start3A_68] : memref<10240xf32, #tpu.memory_space<vmem>> -> memref<640xf32, #tpu.memory_space<vmem>>
      %dma_start3A_70 = tpu.memref_slice %arg13[%run_scoped3A_43, %mul3A_37] : memref<16x10240xf32, #tpu.memory_space<vmem_shared>> -> memref<1x640xf32, #tpu.memory_space<vmem_shared>>
      %dma_start3A_71 = tpu.memref_squeeze %dma_start3A_70 : memref<1x640xf32, #tpu.memory_space<vmem_shared>> -> memref<640xf32, #tpu.memory_space<vmem_shared>>
      tpu.enqueue_dma source(%dma_start3A_71 : memref<640xf32, #tpu.memory_space<vmem_shared>>) target(%dma_start3A_69 : memref<640xf32, #tpu.memory_space<vmem>>) target_semaphore(%run_scoped3A_64 : memref<!tpu.dma_semaphore, #tpu.memory_space<semaphore_mem>>)
      %dma_wait3A = arith.constant 3840 : i32
      %dma_wait3A_72 = tpu.memref_slice %arg10[%dma_wait3A] : memref<10240xf32, #tpu.memory_space<vmem>> -> memref<640xf32, #tpu.memory_space<vmem>>
      %dma_wait3A_73 = tpu.memref_slice %arg13[%run_scoped3A_43, %mul3A_37] : memref<16x10240xf32, #tpu.memory_space<vmem_shared>> -> memref<1x640xf32, #tpu.memory_space<vmem_shared>>
      %dma_wait3A_74 = tpu.memref_squeeze %dma_wait3A_73 : memref<1x640xf32, #tpu.memory_space<vmem_shared>> -> memref<640xf32, #tpu.memory_space<vmem_shared>>
      %dma_wait3A_75 = arith.constant 3840 : i32
      %dma_wait3A_76 = tpu.memref_slice %arg10[%dma_wait3A_75] : memref<10240xf32, #tpu.memory_space<vmem>> -> memref<640xf32, #tpu.memory_space<vmem>>
      %dma_wait3A_77 = tpu.memref_slice %arg13[%run_scoped3A_43, %mul3A_37] : memref<16x10240xf32, #tpu.memory_space<vmem_shared>> -> memref<1x640xf32, #tpu.memory_space<vmem_shared>>
      %dma_wait3A_78 = tpu.memref_squeeze %dma_wait3A_77 : memref<1x640xf32, #tpu.memory_space<vmem_shared>> -> memref<640xf32, #tpu.memory_space<vmem_shared>>
      tpu.wait_dma2 semaphore(%run_scoped3A_64 : memref<!tpu.dma_semaphore, #tpu.memory_space<semaphore_mem>>) src(%dma_wait3A_78 : memref<640xf32, #tpu.memory_space<vmem_shared>>) dst(%dma_wait3A_76 : memref<640xf32, #tpu.memory_space<vmem>>)
      tpu.yield
    }) : () -> ()
    %run_scoped3A_44 = arith.constant 7 : i32
    "tpu.region"() ({
      %run_scoped3A_64 = tpu.sem_alloc : memref<!tpu.dma_semaphore, #tpu.memory_space<semaphore_mem>>
      %dma_start3A = arith.constant 4480 : i32
      %dma_start3A_65 = tpu.memref_slice %arg10[%dma_start3A] : memref<10240xf32, #tpu.memory_space<vmem>> -> memref<640xf32, #tpu.memory_space<vmem>>
      %dma_start3A_66 = tpu.memref_slice %arg13[%run_scoped3A_44, %mul3A_37] : memref<16x10240xf32, #tpu.memory_space<vmem_shared>> -> memref<1x640xf32, #tpu.memory_space<vmem_shared>>
      %dma_start3A_67 = tpu.memref_squeeze %dma_start3A_66 : memref<1x640xf32, #tpu.memory_space<vmem_shared>> -> memref<640xf32, #tpu.memory_space<vmem_shared>>
      %dma_start3A_68 = arith.constant 4480 : i32
      %dma_start3A_69 = tpu.memref_slice %arg10[%dma_start3A_68] : memref<10240xf32, #tpu.memory_space<vmem>> -> memref<640xf32, #tpu.memory_space<vmem>>
      %dma_start3A_70 = tpu.memref_slice %arg13[%run_scoped3A_44, %mul3A_37] : memref<16x10240xf32, #tpu.memory_space<vmem_shared>> -> memref<1x640xf32, #tpu.memory_space<vmem_shared>>
      %dma_start3A_71 = tpu.memref_squeeze %dma_start3A_70 : memref<1x640xf32, #tpu.memory_space<vmem_shared>> -> memref<640xf32, #tpu.memory_space<vmem_shared>>
      tpu.enqueue_dma source(%dma_start3A_71 : memref<640xf32, #tpu.memory_space<vmem_shared>>) target(%dma_start3A_69 : memref<640xf32, #tpu.memory_space<vmem>>) target_semaphore(%run_scoped3A_64 : memref<!tpu.dma_semaphore, #tpu.memory_space<semaphore_mem>>)
      %dma_wait3A = arith.constant 4480 : i32
      %dma_wait3A_72 = tpu.memref_slice %arg10[%dma_wait3A] : memref<10240xf32, #tpu.memory_space<vmem>> -> memref<640xf32, #tpu.memory_space<vmem>>
      %dma_wait3A_73 = tpu.memref_slice %arg13[%run_scoped3A_44, %mul3A_37] : memref<16x10240xf32, #tpu.memory_space<vmem_shared>> -> memref<1x640xf32, #tpu.memory_space<vmem_shared>>
      %dma_wait3A_74 = tpu.memref_squeeze %dma_wait3A_73 : memref<1x640xf32, #tpu.memory_space<vmem_shared>> -> memref<640xf32, #tpu.memory_space<vmem_shared>>
      %dma_wait3A_75 = arith.constant 4480 : i32
      %dma_wait3A_76 = tpu.memref_slice %arg10[%dma_wait3A_75] : memref<10240xf32, #tpu.memory_space<vmem>> -> memref<640xf32, #tpu.memory_space<vmem>>
      %dma_wait3A_77 = tpu.memref_slice %arg13[%run_scoped3A_44, %mul3A_37] : memref<16x10240xf32, #tpu.memory_space<vmem_shared>> -> memref<1x640xf32, #tpu.memory_space<vmem_shared>>
      %dma_wait3A_78 = tpu.memref_squeeze %dma_wait3A_77 : memref<1x640xf32, #tpu.memory_space<vmem_shared>> -> memref<640xf32, #tpu.memory_space<vmem_shared>>
      tpu.wait_dma2 semaphore(%run_scoped3A_64 : memref<!tpu.dma_semaphore, #tpu.memory_space<semaphore_mem>>) src(%dma_wait3A_78 : memref<640xf32, #tpu.memory_space<vmem_shared>>) dst(%dma_wait3A_76 : memref<640xf32, #tpu.memory_space<vmem>>)
      tpu.yield
    }) : () -> ()
    %run_scoped3A_45 = arith.constant 8 : i32
    "tpu.region"() ({
      %run_scoped3A_64 = tpu.sem_alloc : memref<!tpu.dma_semaphore, #tpu.memory_space<semaphore_mem>>
      %dma_start3A = arith.constant 5120 : i32
      %dma_start3A_65 = tpu.memref_slice %arg10[%dma_start3A] : memref<10240xf32, #tpu.memory_space<vmem>> -> memref<640xf32, #tpu.memory_space<vmem>>
      %dma_start3A_66 = tpu.memref_slice %arg13[%run_scoped3A_45, %mul3A_37] : memref<16x10240xf32, #tpu.memory_space<vmem_shared>> -> memref<1x640xf32, #tpu.memory_space<vmem_shared>>
      %dma_start3A_67 = tpu.memref_squeeze %dma_start3A_66 : memref<1x640xf32, #tpu.memory_space<vmem_shared>> -> memref<640xf32, #tpu.memory_space<vmem_shared>>
      %dma_start3A_68 = arith.constant 5120 : i32
      %dma_start3A_69 = tpu.memref_slice %arg10[%dma_start3A_68] : memref<10240xf32, #tpu.memory_space<vmem>> -> memref<640xf32, #tpu.memory_space<vmem>>
      %dma_start3A_70 = tpu.memref_slice %arg13[%run_scoped3A_45, %mul3A_37] : memref<16x10240xf32, #tpu.memory_space<vmem_shared>> -> memref<1x640xf32, #tpu.memory_space<vmem_shared>>
      %dma_start3A_71 = tpu.memref_squeeze %dma_start3A_70 : memref<1x640xf32, #tpu.memory_space<vmem_shared>> -> memref<640xf32, #tpu.memory_space<vmem_shared>>
      tpu.enqueue_dma source(%dma_start3A_71 : memref<640xf32, #tpu.memory_space<vmem_shared>>) target(%dma_start3A_69 : memref<640xf32, #tpu.memory_space<vmem>>) target_semaphore(%run_scoped3A_64 : memref<!tpu.dma_semaphore, #tpu.memory_space<semaphore_mem>>)
      %dma_wait3A = arith.constant 5120 : i32
      %dma_wait3A_72 = tpu.memref_slice %arg10[%dma_wait3A] : memref<10240xf32, #tpu.memory_space<vmem>> -> memref<640xf32, #tpu.memory_space<vmem>>
      %dma_wait3A_73 = tpu.memref_slice %arg13[%run_scoped3A_45, %mul3A_37] : memref<16x10240xf32, #tpu.memory_space<vmem_shared>> -> memref<1x640xf32, #tpu.memory_space<vmem_shared>>
      %dma_wait3A_74 = tpu.memref_squeeze %dma_wait3A_73 : memref<1x640xf32, #tpu.memory_space<vmem_shared>> -> memref<640xf32, #tpu.memory_space<vmem_shared>>
      %dma_wait3A_75 = arith.constant 5120 : i32
      %dma_wait3A_76 = tpu.memref_slice %arg10[%dma_wait3A_75] : memref<10240xf32, #tpu.memory_space<vmem>> -> memref<640xf32, #tpu.memory_space<vmem>>
      %dma_wait3A_77 = tpu.memref_slice %arg13[%run_scoped3A_45, %mul3A_37] : memref<16x10240xf32, #tpu.memory_space<vmem_shared>> -> memref<1x640xf32, #tpu.memory_space<vmem_shared>>
      %dma_wait3A_78 = tpu.memref_squeeze %dma_wait3A_77 : memref<1x640xf32, #tpu.memory_space<vmem_shared>> -> memref<640xf32, #tpu.memory_space<vmem_shared>>
      tpu.wait_dma2 semaphore(%run_scoped3A_64 : memref<!tpu.dma_semaphore, #tpu.memory_space<semaphore_mem>>) src(%dma_wait3A_78 : memref<640xf32, #tpu.memory_space<vmem_shared>>) dst(%dma_wait3A_76 : memref<640xf32, #tpu.memory_space<vmem>>)
      tpu.yield
    }) : () -> ()
    %run_scoped3A_46 = arith.constant 9 : i32
    "tpu.region"() ({
      %run_scoped3A_64 = tpu.sem_alloc : memref<!tpu.dma_semaphore, #tpu.memory_space<semaphore_mem>>
      %dma_start3A = arith.constant 5760 : i32
      %dma_start3A_65 = tpu.memref_slice %arg10[%dma_start3A] : memref<10240xf32, #tpu.memory_space<vmem>> -> memref<640xf32, #tpu.memory_space<vmem>>
      %dma_start3A_66 = tpu.memref_slice %arg13[%run_scoped3A_46, %mul3A_37] : memref<16x10240xf32, #tpu.memory_space<vmem_shared>> -> memref<1x640xf32, #tpu.memory_space<vmem_shared>>
      %dma_start3A_67 = tpu.memref_squeeze %dma_start3A_66 : memref<1x640xf32, #tpu.memory_space<vmem_shared>> -> memref<640xf32, #tpu.memory_space<vmem_shared>>
      %dma_start3A_68 = arith.constant 5760 : i32
      %dma_start3A_69 = tpu.memref_slice %arg10[%dma_start3A_68] : memref<10240xf32, #tpu.memory_space<vmem>> -> memref<640xf32, #tpu.memory_space<vmem>>
      %dma_start3A_70 = tpu.memref_slice %arg13[%run_scoped3A_46, %mul3A_37] : memref<16x10240xf32, #tpu.memory_space<vmem_shared>> -> memref<1x640xf32, #tpu.memory_space<vmem_shared>>
      %dma_start3A_71 = tpu.memref_squeeze %dma_start3A_70 : memref<1x640xf32, #tpu.memory_space<vmem_shared>> -> memref<640xf32, #tpu.memory_space<vmem_shared>>
      tpu.enqueue_dma source(%dma_start3A_71 : memref<640xf32, #tpu.memory_space<vmem_shared>>) target(%dma_start3A_69 : memref<640xf32, #tpu.memory_space<vmem>>) target_semaphore(%run_scoped3A_64 : memref<!tpu.dma_semaphore, #tpu.memory_space<semaphore_mem>>)
      %dma_wait3A = arith.constant 5760 : i32
      %dma_wait3A_72 = tpu.memref_slice %arg10[%dma_wait3A] : memref<10240xf32, #tpu.memory_space<vmem>> -> memref<640xf32, #tpu.memory_space<vmem>>
      %dma_wait3A_73 = tpu.memref_slice %arg13[%run_scoped3A_46, %mul3A_37] : memref<16x10240xf32, #tpu.memory_space<vmem_shared>> -> memref<1x640xf32, #tpu.memory_space<vmem_shared>>
      %dma_wait3A_74 = tpu.memref_squeeze %dma_wait3A_73 : memref<1x640xf32, #tpu.memory_space<vmem_shared>> -> memref<640xf32, #tpu.memory_space<vmem_shared>>
      %dma_wait3A_75 = arith.constant 5760 : i32
      %dma_wait3A_76 = tpu.memref_slice %arg10[%dma_wait3A_75] : memref<10240xf32, #tpu.memory_space<vmem>> -> memref<640xf32, #tpu.memory_space<vmem>>
      %dma_wait3A_77 = tpu.memref_slice %arg13[%run_scoped3A_46, %mul3A_37] : memref<16x10240xf32, #tpu.memory_space<vmem_shared>> -> memref<1x640xf32, #tpu.memory_space<vmem_shared>>
      %dma_wait3A_78 = tpu.memref_squeeze %dma_wait3A_77 : memref<1x640xf32, #tpu.memory_space<vmem_shared>> -> memref<640xf32, #tpu.memory_space<vmem_shared>>
      tpu.wait_dma2 semaphore(%run_scoped3A_64 : memref<!tpu.dma_semaphore, #tpu.memory_space<semaphore_mem>>) src(%dma_wait3A_78 : memref<640xf32, #tpu.memory_space<vmem_shared>>) dst(%dma_wait3A_76 : memref<640xf32, #tpu.memory_space<vmem>>)
      tpu.yield
    }) : () -> ()
    %run_scoped3A_47 = arith.constant 10 : i32
    "tpu.region"() ({
      %run_scoped3A_64 = tpu.sem_alloc : memref<!tpu.dma_semaphore, #tpu.memory_space<semaphore_mem>>
      %dma_start3A = arith.constant 6400 : i32
      %dma_start3A_65 = tpu.memref_slice %arg10[%dma_start3A] : memref<10240xf32, #tpu.memory_space<vmem>> -> memref<640xf32, #tpu.memory_space<vmem>>
      %dma_start3A_66 = tpu.memref_slice %arg13[%run_scoped3A_47, %mul3A_37] : memref<16x10240xf32, #tpu.memory_space<vmem_shared>> -> memref<1x640xf32, #tpu.memory_space<vmem_shared>>
      %dma_start3A_67 = tpu.memref_squeeze %dma_start3A_66 : memref<1x640xf32, #tpu.memory_space<vmem_shared>> -> memref<640xf32, #tpu.memory_space<vmem_shared>>
      %dma_start3A_68 = arith.constant 6400 : i32
      %dma_start3A_69 = tpu.memref_slice %arg10[%dma_start3A_68] : memref<10240xf32, #tpu.memory_space<vmem>> -> memref<640xf32, #tpu.memory_space<vmem>>
      %dma_start3A_70 = tpu.memref_slice %arg13[%run_scoped3A_47, %mul3A_37] : memref<16x10240xf32, #tpu.memory_space<vmem_shared>> -> memref<1x640xf32, #tpu.memory_space<vmem_shared>>
      %dma_start3A_71 = tpu.memref_squeeze %dma_start3A_70 : memref<1x640xf32, #tpu.memory_space<vmem_shared>> -> memref<640xf32, #tpu.memory_space<vmem_shared>>
      tpu.enqueue_dma source(%dma_start3A_71 : memref<640xf32, #tpu.memory_space<vmem_shared>>) target(%dma_start3A_69 : memref<640xf32, #tpu.memory_space<vmem>>) target_semaphore(%run_scoped3A_64 : memref<!tpu.dma_semaphore, #tpu.memory_space<semaphore_mem>>)
      %dma_wait3A = arith.constant 6400 : i32
      %dma_wait3A_72 = tpu.memref_slice %arg10[%dma_wait3A] : memref<10240xf32, #tpu.memory_space<vmem>> -> memref<640xf32, #tpu.memory_space<vmem>>
      %dma_wait3A_73 = tpu.memref_slice %arg13[%run_scoped3A_47, %mul3A_37] : memref<16x10240xf32, #tpu.memory_space<vmem_shared>> -> memref<1x640xf32, #tpu.memory_space<vmem_shared>>
      %dma_wait3A_74 = tpu.memref_squeeze %dma_wait3A_73 : memref<1x640xf32, #tpu.memory_space<vmem_shared>> -> memref<640xf32, #tpu.memory_space<vmem_shared>>
      %dma_wait3A_75 = arith.constant 6400 : i32
      %dma_wait3A_76 = tpu.memref_slice %arg10[%dma_wait3A_75] : memref<10240xf32, #tpu.memory_space<vmem>> -> memref<640xf32, #tpu.memory_space<vmem>>
      %dma_wait3A_77 = tpu.memref_slice %arg13[%run_scoped3A_47, %mul3A_37] : memref<16x10240xf32, #tpu.memory_space<vmem_shared>> -> memref<1x640xf32, #tpu.memory_space<vmem_shared>>
      %dma_wait3A_78 = tpu.memref_squeeze %dma_wait3A_77 : memref<1x640xf32, #tpu.memory_space<vmem_shared>> -> memref<640xf32, #tpu.memory_space<vmem_shared>>
      tpu.wait_dma2 semaphore(%run_scoped3A_64 : memref<!tpu.dma_semaphore, #tpu.memory_space<semaphore_mem>>) src(%dma_wait3A_78 : memref<640xf32, #tpu.memory_space<vmem_shared>>) dst(%dma_wait3A_76 : memref<640xf32, #tpu.memory_space<vmem>>)
      tpu.yield
    }) : () -> ()
    %run_scoped3A_48 = arith.constant 11 : i32
    "tpu.region"() ({
      %run_scoped3A_64 = tpu.sem_alloc : memref<!tpu.dma_semaphore, #tpu.memory_space<semaphore_mem>>
      %dma_start3A = arith.constant 7040 : i32
      %dma_start3A_65 = tpu.memref_slice %arg10[%dma_start3A] : memref<10240xf32, #tpu.memory_space<vmem>> -> memref<640xf32, #tpu.memory_space<vmem>>
      %dma_start3A_66 = tpu.memref_slice %arg13[%run_scoped3A_48, %mul3A_37] : memref<16x10240xf32, #tpu.memory_space<vmem_shared>> -> memref<1x640xf32, #tpu.memory_space<vmem_shared>>
      %dma_start3A_67 = tpu.memref_squeeze %dma_start3A_66 : memref<1x640xf32, #tpu.memory_space<vmem_shared>> -> memref<640xf32, #tpu.memory_space<vmem_shared>>
      %dma_start3A_68 = arith.constant 7040 : i32
      %dma_start3A_69 = tpu.memref_slice %arg10[%dma_start3A_68] : memref<10240xf32, #tpu.memory_space<vmem>> -> memref<640xf32, #tpu.memory_space<vmem>>
      %dma_start3A_70 = tpu.memref_slice %arg13[%run_scoped3A_48, %mul3A_37] : memref<16x10240xf32, #tpu.memory_space<vmem_shared>> -> memref<1x640xf32, #tpu.memory_space<vmem_shared>>
      %dma_start3A_71 = tpu.memref_squeeze %dma_start3A_70 : memref<1x640xf32, #tpu.memory_space<vmem_shared>> -> memref<640xf32, #tpu.memory_space<vmem_shared>>
      tpu.enqueue_dma source(%dma_start3A_71 : memref<640xf32, #tpu.memory_space<vmem_shared>>) target(%dma_start3A_69 : memref<640xf32, #tpu.memory_space<vmem>>) target_semaphore(%run_scoped3A_64 : memref<!tpu.dma_semaphore, #tpu.memory_space<semaphore_mem>>)
      %dma_wait3A = arith.constant 7040 : i32
      %dma_wait3A_72 = tpu.memref_slice %arg10[%dma_wait3A] : memref<10240xf32, #tpu.memory_space<vmem>> -> memref<640xf32, #tpu.memory_space<vmem>>
      %dma_wait3A_73 = tpu.memref_slice %arg13[%run_scoped3A_48, %mul3A_37] : memref<16x10240xf32, #tpu.memory_space<vmem_shared>> -> memref<1x640xf32, #tpu.memory_space<vmem_shared>>
      %dma_wait3A_74 = tpu.memref_squeeze %dma_wait3A_73 : memref<1x640xf32, #tpu.memory_space<vmem_shared>> -> memref<640xf32, #tpu.memory_space<vmem_shared>>
      %dma_wait3A_75 = arith.constant 7040 : i32
      %dma_wait3A_76 = tpu.memref_slice %arg10[%dma_wait3A_75] : memref<10240xf32, #tpu.memory_space<vmem>> -> memref<640xf32, #tpu.memory_space<vmem>>
      %dma_wait3A_77 = tpu.memref_slice %arg13[%run_scoped3A_48, %mul3A_37] : memref<16x10240xf32, #tpu.memory_space<vmem_shared>> -> memref<1x640xf32, #tpu.memory_space<vmem_shared>>
      %dma_wait3A_78 = tpu.memref_squeeze %dma_wait3A_77 : memref<1x640xf32, #tpu.memory_space<vmem_shared>> -> memref<640xf32, #tpu.memory_space<vmem_shared>>
      tpu.wait_dma2 semaphore(%run_scoped3A_64 : memref<!tpu.dma_semaphore, #tpu.memory_space<semaphore_mem>>) src(%dma_wait3A_78 : memref<640xf32, #tpu.memory_space<vmem_shared>>) dst(%dma_wait3A_76 : memref<640xf32, #tpu.memory_space<vmem>>)
      tpu.yield
    }) : () -> ()
    %run_scoped3A_49 = arith.constant 12 : i32
    "tpu.region"() ({
      %run_scoped3A_64 = tpu.sem_alloc : memref<!tpu.dma_semaphore, #tpu.memory_space<semaphore_mem>>
      %dma_start3A = arith.constant 7680 : i32
      %dma_start3A_65 = tpu.memref_slice %arg10[%dma_start3A] : memref<10240xf32, #tpu.memory_space<vmem>> -> memref<640xf32, #tpu.memory_space<vmem>>
      %dma_start3A_66 = tpu.memref_slice %arg13[%run_scoped3A_49, %mul3A_37] : memref<16x10240xf32, #tpu.memory_space<vmem_shared>> -> memref<1x640xf32, #tpu.memory_space<vmem_shared>>
      %dma_start3A_67 = tpu.memref_squeeze %dma_start3A_66 : memref<1x640xf32, #tpu.memory_space<vmem_shared>> -> memref<640xf32, #tpu.memory_space<vmem_shared>>
      %dma_start3A_68 = arith.constant 7680 : i32
      %dma_start3A_69 = tpu.memref_slice %arg10[%dma_start3A_68] : memref<10240xf32, #tpu.memory_space<vmem>> -> memref<640xf32, #tpu.memory_space<vmem>>
      %dma_start3A_70 = tpu.memref_slice %arg13[%run_scoped3A_49, %mul3A_37] : memref<16x10240xf32, #tpu.memory_space<vmem_shared>> -> memref<1x640xf32, #tpu.memory_space<vmem_shared>>
      %dma_start3A_71 = tpu.memref_squeeze %dma_start3A_70 : memref<1x640xf32, #tpu.memory_space<vmem_shared>> -> memref<640xf32, #tpu.memory_space<vmem_shared>>
      tpu.enqueue_dma source(%dma_start3A_71 : memref<640xf32, #tpu.memory_space<vmem_shared>>) target(%dma_start3A_69 : memref<640xf32, #tpu.memory_space<vmem>>) target_semaphore(%run_scoped3A_64 : memref<!tpu.dma_semaphore, #tpu.memory_space<semaphore_mem>>)
      %dma_wait3A = arith.constant 7680 : i32
      %dma_wait3A_72 = tpu.memref_slice %arg10[%dma_wait3A] : memref<10240xf32, #tpu.memory_space<vmem>> -> memref<640xf32, #tpu.memory_space<vmem>>
      %dma_wait3A_73 = tpu.memref_slice %arg13[%run_scoped3A_49, %mul3A_37] : memref<16x10240xf32, #tpu.memory_space<vmem_shared>> -> memref<1x640xf32, #tpu.memory_space<vmem_shared>>
      %dma_wait3A_74 = tpu.memref_squeeze %dma_wait3A_73 : memref<1x640xf32, #tpu.memory_space<vmem_shared>> -> memref<640xf32, #tpu.memory_space<vmem_shared>>
      %dma_wait3A_75 = arith.constant 7680 : i32
      %dma_wait3A_76 = tpu.memref_slice %arg10[%dma_wait3A_75] : memref<10240xf32, #tpu.memory_space<vmem>> -> memref<640xf32, #tpu.memory_space<vmem>>
      %dma_wait3A_77 = tpu.memref_slice %arg13[%run_scoped3A_49, %mul3A_37] : memref<16x10240xf32, #tpu.memory_space<vmem_shared>> -> memref<1x640xf32, #tpu.memory_space<vmem_shared>>
      %dma_wait3A_78 = tpu.memref_squeeze %dma_wait3A_77 : memref<1x640xf32, #tpu.memory_space<vmem_shared>> -> memref<640xf32, #tpu.memory_space<vmem_shared>>
      tpu.wait_dma2 semaphore(%run_scoped3A_64 : memref<!tpu.dma_semaphore, #tpu.memory_space<semaphore_mem>>) src(%dma_wait3A_78 : memref<640xf32, #tpu.memory_space<vmem_shared>>) dst(%dma_wait3A_76 : memref<640xf32, #tpu.memory_space<vmem>>)
      tpu.yield
    }) : () -> ()
    %run_scoped3A_50 = arith.constant 13 : i32
    "tpu.region"() ({
      %run_scoped3A_64 = tpu.sem_alloc : memref<!tpu.dma_semaphore, #tpu.memory_space<semaphore_mem>>
      %dma_start3A = arith.constant 8320 : i32
      %dma_start3A_65 = tpu.memref_slice %arg10[%dma_start3A] : memref<10240xf32, #tpu.memory_space<vmem>> -> memref<640xf32, #tpu.memory_space<vmem>>
      %dma_start3A_66 = tpu.memref_slice %arg13[%run_scoped3A_50, %mul3A_37] : memref<16x10240xf32, #tpu.memory_space<vmem_shared>> -> memref<1x640xf32, #tpu.memory_space<vmem_shared>>
      %dma_start3A_67 = tpu.memref_squeeze %dma_start3A_66 : memref<1x640xf32, #tpu.memory_space<vmem_shared>> -> memref<640xf32, #tpu.memory_space<vmem_shared>>
      %dma_start3A_68 = arith.constant 8320 : i32
      %dma_start3A_69 = tpu.memref_slice %arg10[%dma_start3A_68] : memref<10240xf32, #tpu.memory_space<vmem>> -> memref<640xf32, #tpu.memory_space<vmem>>
      %dma_start3A_70 = tpu.memref_slice %arg13[%run_scoped3A_50, %mul3A_37] : memref<16x10240xf32, #tpu.memory_space<vmem_shared>> -> memref<1x640xf32, #tpu.memory_space<vmem_shared>>
      %dma_start3A_71 = tpu.memref_squeeze %dma_start3A_70 : memref<1x640xf32, #tpu.memory_space<vmem_shared>> -> memref<640xf32, #tpu.memory_space<vmem_shared>>
      tpu.enqueue_dma source(%dma_start3A_71 : memref<640xf32, #tpu.memory_space<vmem_shared>>) target(%dma_start3A_69 : memref<640xf32, #tpu.memory_space<vmem>>) target_semaphore(%run_scoped3A_64 : memref<!tpu.dma_semaphore, #tpu.memory_space<semaphore_mem>>)
      %dma_wait3A = arith.constant 8320 : i32
      %dma_wait3A_72 = tpu.memref_slice %arg10[%dma_wait3A] : memref<10240xf32, #tpu.memory_space<vmem>> -> memref<640xf32, #tpu.memory_space<vmem>>
      %dma_wait3A_73 = tpu.memref_slice %arg13[%run_scoped3A_50, %mul3A_37] : memref<16x10240xf32, #tpu.memory_space<vmem_shared>> -> memref<1x640xf32, #tpu.memory_space<vmem_shared>>
      %dma_wait3A_74 = tpu.memref_squeeze %dma_wait3A_73 : memref<1x640xf32, #tpu.memory_space<vmem_shared>> -> memref<640xf32, #tpu.memory_space<vmem_shared>>
      %dma_wait3A_75 = arith.constant 8320 : i32
      %dma_wait3A_76 = tpu.memref_slice %arg10[%dma_wait3A_75] : memref<10240xf32, #tpu.memory_space<vmem>> -> memref<640xf32, #tpu.memory_space<vmem>>
      %dma_wait3A_77 = tpu.memref_slice %arg13[%run_scoped3A_50, %mul3A_37] : memref<16x10240xf32, #tpu.memory_space<vmem_shared>> -> memref<1x640xf32, #tpu.memory_space<vmem_shared>>
      %dma_wait3A_78 = tpu.memref_squeeze %dma_wait3A_77 : memref<1x640xf32, #tpu.memory_space<vmem_shared>> -> memref<640xf32, #tpu.memory_space<vmem_shared>>
      tpu.wait_dma2 semaphore(%run_scoped3A_64 : memref<!tpu.dma_semaphore, #tpu.memory_space<semaphore_mem>>) src(%dma_wait3A_78 : memref<640xf32, #tpu.memory_space<vmem_shared>>) dst(%dma_wait3A_76 : memref<640xf32, #tpu.memory_space<vmem>>)
      tpu.yield
    }) : () -> ()
    %run_scoped3A_51 = arith.constant 14 : i32
    "tpu.region"() ({
      %run_scoped3A_64 = tpu.sem_alloc : memref<!tpu.dma_semaphore, #tpu.memory_space<semaphore_mem>>
      %dma_start3A = arith.constant 8960 : i32
      %dma_start3A_65 = tpu.memref_slice %arg10[%dma_start3A] : memref<10240xf32, #tpu.memory_space<vmem>> -> memref<640xf32, #tpu.memory_space<vmem>>
      %dma_start3A_66 = tpu.memref_slice %arg13[%run_scoped3A_51, %mul3A_37] : memref<16x10240xf32, #tpu.memory_space<vmem_shared>> -> memref<1x640xf32, #tpu.memory_space<vmem_shared>>
      %dma_start3A_67 = tpu.memref_squeeze %dma_start3A_66 : memref<1x640xf32, #tpu.memory_space<vmem_shared>> -> memref<640xf32, #tpu.memory_space<vmem_shared>>
      %dma_start3A_68 = arith.constant 8960 : i32
      %dma_start3A_69 = tpu.memref_slice %arg10[%dma_start3A_68] : memref<10240xf32, #tpu.memory_space<vmem>> -> memref<640xf32, #tpu.memory_space<vmem>>
      %dma_start3A_70 = tpu.memref_slice %arg13[%run_scoped3A_51, %mul3A_37] : memref<16x10240xf32, #tpu.memory_space<vmem_shared>> -> memref<1x640xf32, #tpu.memory_space<vmem_shared>>
      %dma_start3A_71 = tpu.memref_squeeze %dma_start3A_70 : memref<1x640xf32, #tpu.memory_space<vmem_shared>> -> memref<640xf32, #tpu.memory_space<vmem_shared>>
      tpu.enqueue_dma source(%dma_start3A_71 : memref<640xf32, #tpu.memory_space<vmem_shared>>) target(%dma_start3A_69 : memref<640xf32, #tpu.memory_space<vmem>>) target_semaphore(%run_scoped3A_64 : memref<!tpu.dma_semaphore, #tpu.memory_space<semaphore_mem>>)
      %dma_wait3A = arith.constant 8960 : i32
      %dma_wait3A_72 = tpu.memref_slice %arg10[%dma_wait3A] : memref<10240xf32, #tpu.memory_space<vmem>> -> memref<640xf32, #tpu.memory_space<vmem>>
      %dma_wait3A_73 = tpu.memref_slice %arg13[%run_scoped3A_51, %mul3A_37] : memref<16x10240xf32, #tpu.memory_space<vmem_shared>> -> memref<1x640xf32, #tpu.memory_space<vmem_shared>>
      %dma_wait3A_74 = tpu.memref_squeeze %dma_wait3A_73 : memref<1x640xf32, #tpu.memory_space<vmem_shared>> -> memref<640xf32, #tpu.memory_space<vmem_shared>>
      %dma_wait3A_75 = arith.constant 8960 : i32
      %dma_wait3A_76 = tpu.memref_slice %arg10[%dma_wait3A_75] : memref<10240xf32, #tpu.memory_space<vmem>> -> memref<640xf32, #tpu.memory_space<vmem>>
      %dma_wait3A_77 = tpu.memref_slice %arg13[%run_scoped3A_51, %mul3A_37] : memref<16x10240xf32, #tpu.memory_space<vmem_shared>> -> memref<1x640xf32, #tpu.memory_space<vmem_shared>>
      %dma_wait3A_78 = tpu.memref_squeeze %dma_wait3A_77 : memref<1x640xf32, #tpu.memory_space<vmem_shared>> -> memref<640xf32, #tpu.memory_space<vmem_shared>>
      tpu.wait_dma2 semaphore(%run_scoped3A_64 : memref<!tpu.dma_semaphore, #tpu.memory_space<semaphore_mem>>) src(%dma_wait3A_78 : memref<640xf32, #tpu.memory_space<vmem_shared>>) dst(%dma_wait3A_76 : memref<640xf32, #tpu.memory_space<vmem>>)
      tpu.yield
    }) : () -> ()
    %run_scoped3A_52 = arith.constant 15 : i32
    "tpu.region"() ({
      %run_scoped3A_64 = tpu.sem_alloc : memref<!tpu.dma_semaphore, #tpu.memory_space<semaphore_mem>>
      %dma_start3A = arith.constant 9600 : i32
      %dma_start3A_65 = tpu.memref_slice %arg10[%dma_start3A] : memref<10240xf32, #tpu.memory_space<vmem>> -> memref<640xf32, #tpu.memory_space<vmem>>
      %dma_start3A_66 = tpu.memref_slice %arg13[%run_scoped3A_52, %mul3A_37] : memref<16x10240xf32, #tpu.memory_space<vmem_shared>> -> memref<1x640xf32, #tpu.memory_space<vmem_shared>>
      %dma_start3A_67 = tpu.memref_squeeze %dma_start3A_66 : memref<1x640xf32, #tpu.memory_space<vmem_shared>> -> memref<640xf32, #tpu.memory_space<vmem_shared>>
      %dma_start3A_68 = arith.constant 9600 : i32
      %dma_start3A_69 = tpu.memref_slice %arg10[%dma_start3A_68] : memref<10240xf32, #tpu.memory_space<vmem>> -> memref<640xf32, #tpu.memory_space<vmem>>
      %dma_start3A_70 = tpu.memref_slice %arg13[%run_scoped3A_52, %mul3A_37] : memref<16x10240xf32, #tpu.memory_space<vmem_shared>> -> memref<1x640xf32, #tpu.memory_space<vmem_shared>>
      %dma_start3A_71 = tpu.memref_squeeze %dma_start3A_70 : memref<1x640xf32, #tpu.memory_space<vmem_shared>> -> memref<640xf32, #tpu.memory_space<vmem_shared>>
      tpu.enqueue_dma source(%dma_start3A_71 : memref<640xf32, #tpu.memory_space<vmem_shared>>) target(%dma_start3A_69 : memref<640xf32, #tpu.memory_space<vmem>>) target_semaphore(%run_scoped3A_64 : memref<!tpu.dma_semaphore, #tpu.memory_space<semaphore_mem>>)
      %dma_wait3A = arith.constant 9600 : i32
      %dma_wait3A_72 = tpu.memref_slice %arg10[%dma_wait3A] : memref<10240xf32, #tpu.memory_space<vmem>> -> memref<640xf32, #tpu.memory_space<vmem>>
      %dma_wait3A_73 = tpu.memref_slice %arg13[%run_scoped3A_52, %mul3A_37] : memref<16x10240xf32, #tpu.memory_space<vmem_shared>> -> memref<1x640xf32, #tpu.memory_space<vmem_shared>>
      %dma_wait3A_74 = tpu.memref_squeeze %dma_wait3A_73 : memref<1x640xf32, #tpu.memory_space<vmem_shared>> -> memref<640xf32, #tpu.memory_space<vmem_shared>>
      %dma_wait3A_75 = arith.constant 9600 : i32
      %dma_wait3A_76 = tpu.memref_slice %arg10[%dma_wait3A_75] : memref<10240xf32, #tpu.memory_space<vmem>> -> memref<640xf32, #tpu.memory_space<vmem>>
      %dma_wait3A_77 = tpu.memref_slice %arg13[%run_scoped3A_52, %mul3A_37] : memref<16x10240xf32, #tpu.memory_space<vmem_shared>> -> memref<1x640xf32, #tpu.memory_space<vmem_shared>>
      %dma_wait3A_78 = tpu.memref_squeeze %dma_wait3A_77 : memref<1x640xf32, #tpu.memory_space<vmem_shared>> -> memref<640xf32, #tpu.memory_space<vmem_shared>>
      tpu.wait_dma2 semaphore(%run_scoped3A_64 : memref<!tpu.dma_semaphore, #tpu.memory_space<semaphore_mem>>) src(%dma_wait3A_78 : memref<640xf32, #tpu.memory_space<vmem_shared>>) dst(%dma_wait3A_76 : memref<640xf32, #tpu.memory_space<vmem>>)
      tpu.yield
    }) : () -> ()
    %scan3A_53 = arith.constant 0 : i32
    %scan3A_54 = arith.constant 40 : i32
    %scan3A_55 = arith.addi %scan3A_53, %scan3A_54 : i32
    %scan3A_56 = arith.constant 1 : i32
    scf.for %scan3A_64 = %scan3A_53 to %scan3A_55 step %scan3A_56  : i32 {
      %mul3A_65 = arith.constant 16 : i32
      %mul3A_66 = arith.muli %scan3A_64, %mul3A_65 : i32
      %get3A = arith.index_cast %mul3A_66 : i32 to index
      %get3A_67 = tpu.vector_load %arg10[%get3A] {strides = array<i32>} : memref<10240xf32, #tpu.memory_space<vmem>>, vector<16xf32>,
      %mul3A_68 = arith.constant 16 : i32
      %mul3A_69 = arith.muli %scan3A_64, %mul3A_68 : i32
      %add3A = arith.constant 640 : i32
      %add3A_70 = arith.addi %add3A, %mul3A_69 : i32
      %get3A_71 = arith.index_cast %add3A_70 : i32 to index
      %get3A_72 = tpu.vector_load %arg10[%get3A_71] {strides = array<i32>} : memref<10240xf32, #tpu.memory_space<vmem>>, vector<16xf32>,
      %add3A_73 = arith.addf %get3A_67, %get3A_72 : vector<16xf32>
      %mul3A_74 = arith.constant 16 : i32
      %mul3A_75 = arith.muli %scan3A_64, %mul3A_74 : i32
      %add3A_76 = arith.constant 1280 : i32
      %add3A_77 = arith.addi %add3A_76, %mul3A_75 : i32
      %get3A_78 = arith.index_cast %add3A_77 : i32 to index
      %get3A_79 = tpu.vector_load %arg10[%get3A_78] {strides = array<i32>} : memref<10240xf32, #tpu.memory_space<vmem>>, vector<16xf32>,
      %add3A_80 = arith.addf %add3A_73, %get3A_79 : vector<16xf32>
      %mul3A_81 = arith.constant 16 : i32
      %mul3A_82 = arith.muli %scan3A_64, %mul3A_81 : i32
      %add3A_83 = arith.constant 1920 : i32
      %add3A_84 = arith.addi %add3A_83, %mul3A_82 : i32
      %get3A_85 = arith.index_cast %add3A_84 : i32 to index
      %get3A_86 = tpu.vector_load %arg10[%get3A_85] {strides = array<i32>} : memref<10240xf32, #tpu.memory_space<vmem>>, vector<16xf32>,
      %add3A_87 = arith.addf %add3A_80, %get3A_86 : vector<16xf32>
      %mul3A_88 = arith.constant 16 : i32
      %mul3A_89 = arith.muli %scan3A_64, %mul3A_88 : i32
      %add3A_90 = arith.constant 2560 : i32
      %add3A_91 = arith.addi %add3A_90, %mul3A_89 : i32
      %get3A_92 = arith.index_cast %add3A_91 : i32 to index
      %get3A_93 = tpu.vector_load %arg10[%get3A_92] {strides = array<i32>} : memref<10240xf32, #tpu.memory_space<vmem>>, vector<16xf32>,
      %add3A_94 = arith.addf %add3A_87, %get3A_93 : vector<16xf32>
      %mul3A_95 = arith.constant 16 : i32
      %mul3A_96 = arith.muli %scan3A_64, %mul3A_95 : i32
      %add3A_97 = arith.constant 3200 : i32
      %add3A_98 = arith.addi %add3A_97, %mul3A_96 : i32
      %get3A_99 = arith.index_cast %add3A_98 : i32 to index
      %get3A_100 = tpu.vector_load %arg10[%get3A_99] {strides = array<i32>} : memref<10240xf32, #tpu.memory_space<vmem>>, vector<16xf32>,
      %add3A_101 = arith.addf %add3A_94, %get3A_100 : vector<16xf32>
      %mul3A_102 = arith.constant 16 : i32
      %mul3A_103 = arith.muli %scan3A_64, %mul3A_102 : i32
      %add3A_104 = arith.constant 3840 : i32
      %add3A_105 = arith.addi %add3A_104, %mul3A_103 : i32
      %get3A_106 = arith.index_cast %add3A_105 : i32 to index
      %get3A_107 = tpu.vector_load %arg10[%get3A_106] {strides = array<i32>} : memref<10240xf32, #tpu.memory_space<vmem>>, vector<16xf32>,
      %add3A_108 = arith.addf %add3A_101, %get3A_107 : vector<16xf32>
      %mul3A_109 = arith.constant 16 : i32
      %mul3A_110 = arith.muli %scan3A_64, %mul3A_109 : i32
      %add3A_111 = arith.constant 4480 : i32
      %add3A_112 = arith.addi %add3A_111, %mul3A_110 : i32
      %get3A_113 = arith.index_cast %add3A_112 : i32 to index
      %get3A_114 = tpu.vector_load %arg10[%get3A_113] {strides = array<i32>} : memref<10240xf32, #tpu.memory_space<vmem>>, vector<16xf32>,
      %add3A_115 = arith.addf %add3A_108, %get3A_114 : vector<16xf32>
      %mul3A_116 = arith.constant 16 : i32
      %mul3A_117 = arith.muli %scan3A_64, %mul3A_116 : i32
      %add3A_118 = arith.constant 5120 : i32
      %add3A_119 = arith.addi %add3A_118, %mul3A_117 : i32
      %get3A_120 = arith.index_cast %add3A_119 : i32 to index
      %get3A_121 = tpu.vector_load %arg10[%get3A_120] {strides = array<i32>} : memref<10240xf32, #tpu.memory_space<vmem>>, vector<16xf32>,
      %add3A_122 = arith.addf %add3A_115, %get3A_121 : vector<16xf32>
      %mul3A_123 = arith.constant 16 : i32
      %mul3A_124 = arith.muli %scan3A_64, %mul3A_123 : i32
      %add3A_125 = arith.constant 5760 : i32
      %add3A_126 = arith.addi %add3A_125, %mul3A_124 : i32
      %get3A_127 = arith.index_cast %add3A_126 : i32 to index
      %get3A_128 = tpu.vector_load %arg10[%get3A_127] {strides = array<i32>} : memref<10240xf32, #tpu.memory_space<vmem>>, vector<16xf32>,
      %add3A_129 = arith.addf %add3A_122, %get3A_128 : vector<16xf32>
      %mul3A_130 = arith.constant 16 : i32
      %mul3A_131 = arith.muli %scan3A_64, %mul3A_130 : i32
      %add3A_132 = arith.constant 6400 : i32
      %add3A_133 = arith.addi %add3A_132, %mul3A_131 : i32
      %get3A_134 = arith.index_cast %add3A_133 : i32 to index
      %get3A_135 = tpu.vector_load %arg10[%get3A_134] {strides = array<i32>} : memref<10240xf32, #tpu.memory_space<vmem>>, vector<16xf32>,
      %add3A_136 = arith.addf %add3A_129, %get3A_135 : vector<16xf32>
      %mul3A_137 = arith.constant 16 : i32
      %mul3A_138 = arith.muli %scan3A_64, %mul3A_137 : i32
      %add3A_139 = arith.constant 7040 : i32
      %add3A_140 = arith.addi %add3A_139, %mul3A_138 : i32
      %get3A_141 = arith.index_cast %add3A_140 : i32 to index
      %get3A_142 = tpu.vector_load %arg10[%get3A_141] {strides = array<i32>} : memref<10240xf32, #tpu.memory_space<vmem>>, vector<16xf32>,
      %add3A_143 = arith.addf %add3A_136, %get3A_142 : vector<16xf32>
      %mul3A_144 = arith.constant 16 : i32
      %mul3A_145 = arith.muli %scan3A_64, %mul3A_144 : i32
      %add3A_146 = arith.constant 7680 : i32
      %add3A_147 = arith.addi %add3A_146, %mul3A_145 : i32
      %get3A_148 = arith.index_cast %add3A_147 : i32 to index
      %get3A_149 = tpu.vector_load %arg10[%get3A_148] {strides = array<i32>} : memref<10240xf32, #tpu.memory_space<vmem>>, vector<16xf32>,
      %add3A_150 = arith.addf %add3A_143, %get3A_149 : vector<16xf32>
      %mul3A_151 = arith.constant 16 : i32
      %mul3A_152 = arith.muli %scan3A_64, %mul3A_151 : i32
      %add3A_153 = arith.constant 8320 : i32
      %add3A_154 = arith.addi %add3A_153, %mul3A_152 : i32
      %get3A_155 = arith.index_cast %add3A_154 : i32 to index
      %get3A_156 = tpu.vector_load %arg10[%get3A_155] {strides = array<i32>} : memref<10240xf32, #tpu.memory_space<vmem>>, vector<16xf32>,
      %add3A_157 = arith.addf %add3A_150, %get3A_156 : vector<16xf32>
      %mul3A_158 = arith.constant 16 : i32
      %mul3A_159 = arith.muli %scan3A_64, %mul3A_158 : i32
      %add3A_160 = arith.constant 8960 : i32
      %add3A_161 = arith.addi %add3A_160, %mul3A_159 : i32
      %get3A_162 = arith.index_cast %add3A_161 : i32 to index
      %get3A_163 = tpu.vector_load %arg10[%get3A_162] {strides = array<i32>} : memref<10240xf32, #tpu.memory_space<vmem>>, vector<16xf32>,
      %add3A_164 = arith.addf %add3A_157, %get3A_163 : vector<16xf32>
      %mul3A_165 = arith.constant 16 : i32
      %mul3A_166 = arith.muli %scan3A_64, %mul3A_165 : i32
      %add3A_167 = arith.constant 9600 : i32
      %add3A_168 = arith.addi %add3A_167, %mul3A_166 : i32
      %get3A_169 = arith.index_cast %add3A_168 : i32 to index
      %get3A_170 = tpu.vector_load %arg10[%get3A_169] {strides = array<i32>} : memref<10240xf32, #tpu.memory_space<vmem>>, vector<16xf32>,
      %add3A_171 = arith.addf %add3A_164, %get3A_170 : vector<16xf32>
      %mul3A_172 = arith.constant 16 : i32
      %mul3A_173 = arith.muli %scan3A_64, %mul3A_172 : i32
      %swap3A = arith.index_cast %mul3A_173 : i32 to index
      %swap3A_174 = tpu.vector_load %arg12[%swap3A] {strides = array<i32>} : memref<640xf32, #tpu.memory_space<vmem>>, vector<16xf32>,
      tpu.vector_store %arg12[%swap3A], %add3A_171 {strides = array<i32>} : memref<640xf32, #tpu.memory_space<vmem>>, vector<16xf32>,
    }
    %scan3A_57 = arith.constant 40 : i32
    "tpu.region"() ({
      %run_scoped3A_64 = tpu.sem_alloc : memref<!tpu.dma_semaphore, #tpu.memory_space<semaphore_mem>>
      %dma_start3A = tpu.memref_slice %arg14[%mul3A_37] : memref<10240xf32, #tpu.memory_space<vmem_shared>> -> memref<640xf32, #tpu.memory_space<vmem_shared>>
      %dma_start3A_65 = tpu.memref_slice %arg14[%mul3A_37] : memref<10240xf32, #tpu.memory_space<vmem_shared>> -> memref<640xf32, #tpu.memory_space<vmem_shared>>
      tpu.enqueue_dma source(%arg12 : memref<640xf32, #tpu.memory_space<vmem>>) target(%dma_start3A_65 : memref<640xf32, #tpu.memory_space<vmem_shared>>) target_semaphore(%run_scoped3A_64 : memref<!tpu.dma_semaphore, #tpu.memory_space<semaphore_mem>>)
      %dma_wait3A = tpu.memref_slice %arg14[%mul3A_37] : memref<10240xf32, #tpu.memory_space<vmem_shared>> -> memref<640xf32, #tpu.memory_space<vmem_shared>>
      %dma_wait3A_66 = tpu.memref_slice %arg14[%mul3A_37] : memref<10240xf32, #tpu.memory_space<vmem_shared>> -> memref<640xf32, #tpu.memory_space<vmem_shared>>
      tpu.wait_dma2 semaphore(%run_scoped3A_64 : memref<!tpu.dma_semaphore, #tpu.memory_space<semaphore_mem>>) src(%arg12 : memref<640xf32, #tpu.memory_space<vmem>>) dst(%dma_wait3A_66 : memref<640xf32, #tpu.memory_space<vmem_shared>>)
      tpu.yield
    }) : () -> ()
    %barrier3A_58 = arith.constant 0 : index
    tpu.barrier barrier_id(%barrier3A_58)
    "tpu.region"() ({
      %run_scoped3A_64 = tpu.sem_alloc : memref<!tpu.dma_semaphore, #tpu.memory_space<semaphore_mem>>
      tpu.enqueue_dma source(%arg14 : memref<10240xf32, #tpu.memory_space<vmem_shared>>) target(%arg11 : memref<10240xf32, #tpu.memory_space<vmem>>) target_semaphore(%run_scoped3A_64 : memref<!tpu.dma_semaphore, #tpu.memory_space<semaphore_mem>>)
      tpu.wait_dma2 semaphore(%run_scoped3A_64 : memref<!tpu.dma_semaphore, #tpu.memory_space<semaphore_mem>>) src(%arg14 : memref<10240xf32, #tpu.memory_space<vmem_shared>>) dst(%arg11 : memref<10240xf32, #tpu.memory_space<vmem>>)
      tpu.yield
    }) : () -> ()
    %scan3A_59 = arith.constant 0 : i32
    %scan3A_60 = arith.constant 1250 : i32
    %scan3A_61 = arith.addi %scan3A_59, %scan3A_60 : i32
    %scan3A_62 = arith.constant 1 : i32
    scf.for %scan3A_64 = %scan3A_59 to %scan3A_61 step %scan3A_62  : i32 {
      %mul3A_65 = arith.constant 16 : i32
      %mul3A_66 = arith.muli %scan3A_64, %mul3A_65 : i32
      %get3A = arith.index_cast %mul3A_66 : i32 to index
      %get3A_67 = tpu.vector_load %arg7[%get3A] {strides = array<i32>} : memref<20000xi32, #tpu.memory_space<vmem>>, vector<16xi32>,
      %and3A_68 = arith.constant 65535 : i32
      %and3A_69 = vector.broadcast %and3A_68 : i32 to vector<16xi32>
      %and3A_70 = arith.andi %get3A_67, %and3A_69 : vector<16xi32>
      %gather3A = tpu.vector_load_idx %arg11[%and3A_70] : memref<10240xf32, #tpu.memory_space<vmem>>[vector<16xi32>], vector<16xf32>,
      %get3A_71 = arith.index_cast %mul3A_66 : i32 to index
      %get3A_72 = tpu.vector_load %arg9[%get3A_71] {strides = array<i32>} : memref<20000xf32, #tpu.memory_space<vmem>>, vector<16xf32>,
      %div3A_73 = arith.divf %get3A_72, %gather3A : vector<16xf32>
      %add3A = arith.constant 5.000000e-01 : f32
      %add3A_74 = vector.broadcast %add3A : f32 to vector<16xf32>
      %add3A_75 = arith.addf %div3A_73, %add3A_74 : vector<16xf32>
      %swap3A = arith.index_cast %mul3A_66 : i32 to index
      %swap3A_76 = tpu.vector_load %arg9[%swap3A] {strides = array<i32>} : memref<20000xf32, #tpu.memory_space<vmem>>, vector<16xf32>,
      tpu.vector_store %arg9[%swap3A], %add3A_75 {strides = array<i32>} : memref<20000xf32, #tpu.memory_space<vmem>>, vector<16xf32>,
    }
    %scan3A_63 = arith.constant 1250 : i32
    "tpu.region"() ({
      %run_scoped3A_64 = tpu.sem_alloc : memref<!tpu.dma_semaphore, #tpu.memory_space<semaphore_mem>>
      %dma_start3A = tpu.memref_slice %arg5[%mul3A_0] : memref<320000xf32, #tpu.memory_space<hbm>> -> memref<20000xf32, #tpu.memory_space<hbm>>
      %dma_start3A_65 = tpu.memref_slice %arg5[%mul3A_0] : memref<320000xf32, #tpu.memory_space<hbm>> -> memref<20000xf32, #tpu.memory_space<hbm>>
      tpu.enqueue_dma source(%arg9 : memref<20000xf32, #tpu.memory_space<vmem>>) target(%dma_start3A_65 : memref<20000xf32, #tpu.memory_space<hbm>>) target_semaphore(%run_scoped3A_64 : memref<!tpu.dma_semaphore, #tpu.memory_space<semaphore_mem>>)
      %dma_wait3A = tpu.memref_slice %arg5[%mul3A_0] : memref<320000xf32, #tpu.memory_space<hbm>> -> memref<20000xf32, #tpu.memory_space<hbm>>
      %dma_wait3A_66 = tpu.memref_slice %arg5[%mul3A_0] : memref<320000xf32, #tpu.memory_space<hbm>> -> memref<20000xf32, #tpu.memory_space<hbm>>
      tpu.wait_dma2 semaphore(%run_scoped3A_64 : memref<!tpu.dma_semaphore, #tpu.memory_space<semaphore_mem>>) src(%arg9 : memref<20000xf32, #tpu.memory_space<vmem>>) dst(%dma_wait3A_66 : memref<20000xf32, #tpu.memory_space<hbm>>)
      tpu.yield
    }) : () -> ()
    return
  }
}

module attributes {stable_mosaic.version = 14 : i64} {
  func.func @_tc_body(%arg0: memref<10000x128xf32, #tpu.memory_space<vmem>>, %arg1: memref<40000x128xf32, #tpu.memory_space<vmem>>, %arg2: memref<2x320000xi32, #tpu.memory_space<vmem>>, %arg3: memref<2x128xf32, #tpu.memory_space<vmem>>, %arg4: memref<8x128xf32, #tpu.memory_space<vmem>>, %arg5: memref<2x10000xf32, #tpu.memory_space<vmem>>, %arg6: memref<8x40064xf32, #tpu.memory_space<vmem>>, %arg7: memref<320000xi32, #tpu.memory_space<vmem>>) attributes {dimension_semantics = [], scalar_prefetch = 0 : i64, scratch_operands = 0 : i64, tpu.core_type = #tpu.core_type<tc>} {
    %get3A = arith.constant 0 : index
    %get3A_0 = arith.constant 0 : index
    %get3A_1 = vector.load %arg3[%get3A, %get3A_0] : memref<2x128xf32, #tpu.memory_space<vmem>>, vector<2x128xf32>
    %get3A_2 = arith.constant 0 : index
    %get3A_3 = arith.constant 0 : index
    %get3A_4 = vector.load %arg0[%get3A_2, %get3A_3] : memref<10000x128xf32, #tpu.memory_space<vmem>>, vector<10000x128xf32>
    %dot_general3A = arith.constant dense<0.000000e+00> : vector<2x10000xf32>
    %dot_general3A_5 = tpu.matmul %get3A_1, %get3A_4, %dot_general3A {dimension_numbers = #tpu.dot_dimension_numbers<[1], [1], [0], [0], [0, 0, 1, 0], [], []>, transpose_lhs_hint = false} : vector<2x128xf32>, vector<10000x128xf32>, vector<2x10000xf32> -> vector<2x10000xf32>
    %swap3A = arith.constant 0 : index
    %swap3A_6 = arith.constant 0 : index
    %swap3A_7 = vector.load %arg5[%swap3A, %swap3A_6] : memref<2x10000xf32, #tpu.memory_space<vmem>>, vector<2x10000xf32>
    tpu.vector_store %arg5[%swap3A, %swap3A_6], %dot_general3A_5 {strides = array<i32>} : memref<2x10000xf32, #tpu.memory_space<vmem>>, vector<2x10000xf32>,
    %get3A_8 = arith.constant 0 : index
    %get3A_9 = arith.constant 0 : index
    %get3A_10 = vector.load %arg4[%get3A_8, %get3A_9] : memref<8x128xf32, #tpu.memory_space<vmem>>, vector<8x128xf32>
    %get3A_11 = arith.constant 0 : index
    %get3A_12 = arith.constant 0 : index
    %get3A_13 = vector.load %arg1[%get3A_11, %get3A_12] : memref<40000x128xf32, #tpu.memory_space<vmem>>, vector<40000x128xf32>
    %dot_general3A_14 = arith.constant dense<0.000000e+00> : vector<8x40000xf32>
    %dot_general3A_15 = tpu.matmul %get3A_10, %get3A_13, %dot_general3A_14 {dimension_numbers = #tpu.dot_dimension_numbers<[1], [1], [0], [0], [0, 0, 1, 0], [], []>, transpose_lhs_hint = false} : vector<8x128xf32>, vector<40000x128xf32>, vector<8x40000xf32> -> vector<8x40000xf32>
    %broadcast_in_dim3A = arith.constant 0.000000e+00 : f32
    %broadcast_in_dim3A_16 = vector.broadcast %broadcast_in_dim3A : f32 to vector<8x64xf32>
    %concatenate3A = tpu.concatenate %dot_general3A_15, %broadcast_in_dim3A_16 in 1 : vector<8x40000xf32>, vector<8x64xf32> -> vector<8x40064xf32>
    %swap3A_17 = arith.constant 0 : index
    %swap3A_18 = arith.constant 0 : index
    %swap3A_19 = vector.load %arg6[%swap3A_17, %swap3A_18] : memref<8x40064xf32, #tpu.memory_space<vmem>>, vector<8x40064xf32>
    tpu.vector_store %arg6[%swap3A_17, %swap3A_18], %concatenate3A {strides = array<i32>} : memref<8x40064xf32, #tpu.memory_space<vmem>>, vector<8x40064xf32>,
    %get3A_20 = arith.constant 0 : index
    %get3A_21 = arith.constant 0 : index
    %get3A_22 = vector.load %arg2[%get3A_20, %get3A_21] : memref<2x320000xi32, #tpu.memory_space<vmem>>, vector<1x320000xi32>
    %get3A_23 = vector.shape_cast %get3A_22 : vector<1x320000xi32> to vector<320000xi32>
    %shift_left3A = arith.constant 16 : i32
    %shift_left3A_24 = vector.broadcast %shift_left3A : i32 to vector<320000xi32>
    %shift_left3A_25 = arith.shli %get3A_23, %shift_left3A_24 : vector<320000xi32>
    %get3A_26 = arith.constant 1 : index
    %get3A_27 = arith.constant 0 : index
    %get3A_28 = vector.load %arg2[%get3A_26, %get3A_27] : memref<2x320000xi32, #tpu.memory_space<vmem>>, vector<1x320000xi32>
    %get3A_29 = vector.shape_cast %get3A_28 : vector<1x320000xi32> to vector<320000xi32>
    %or3A = arith.ori %shift_left3A_25, %get3A_29 : vector<320000xi32>
    %swap3A_30 = arith.constant 0 : index
    %swap3A_31 = vector.load %arg7[%swap3A_30] : memref<320000xi32, #tpu.memory_space<vmem>>, vector<320000xi32>
    tpu.vector_store %arg7[%swap3A_30], %or3A {strides = array<i32>} : memref<320000xi32, #tpu.memory_space<vmem>>, vector<320000xi32>,
    return
  }
}

</mosaic_0001>

<sc_bundles>
// kernel: kernel.4.cloned.1.call-start
scs
__scs_entry_jumppad:
0x0: {  	(pc) =	sbr.rel $0x88, $3  }
0x1: {  	(tag) =	ssettag $0x0;
	lr =	simm.s32 $0x1  }
0x2: {  	[smem:$0x3F9B] =	sst lr;
	_ =	strace $0xD0000000  }
0x3: {  	_ = 	snop  }
0x4: {  	_ = 	snop  }
0x5: {  	_ = 	snop  }
0x6: {  	_ = 	snop  }
0x7: {  	_ = 	snop  }
__scs_overlays_trampoline_lowered:
0x8: {  	[smem:$0x3FAA] =	sst s0  }
0x9: {  	[smem:$0x3FAB] =	sst s1  }
0xa: {  	[smem:$0x3FAC] =	sst s2  }
0xb: {  	[smem:$0x3FAD] =	sst s3  }
0xc: {  	[smem:$0x3FAE] =	sst s4  }
0xd: {  	[smem:$0x3FAF] =	sst s5  }
0xe: {  	[smem:$0x3FB0] =	sst s6  }
0xf: {  	[smem:$0x3FB1] =	sst s7  }
0x10: {  	[smem:$0x3FB2] =	sst s8  }
0x11: {  	[smem:$0x3FB3] =	sst s9;
	s0 =	simm.s32 @!p0 $0x0  }
0x12: {  	s1 =	sld [smem:$0x3F99];
	s0 =	simm.s32 @p0 $0x1  }
0x13: {  	[smem:$0x3FB4] =	sst s0;
	s0 =	simm.s32 @!p1 $0x0  }
0x14: {  	s2 =	sld [smem:$0x3F98];
	s0 =	simm.s32 @p1 $0x1  }
0x15: {  	[smem:$0x3FB5] =	sst s0;
	s0 =	simm.s32 @!p2 $0x0  }
0x16: {  	s3 =	sld [smem:$0x3FDB];
	s0 =	simm.s32 @p2 $0x1  }
0x17: {  	s4 =	simm.s32 $0x1BF5;
	[smem:$0x3FB7] =	sst s0  }
0x18: {  	s0 =	sld [smem:$0x3F9A];
	_ =	swait.ge [sflag:s4], $0x0  }
0x19: {  	s7 =	sld [smem:$0x3F9B]  }
0x1a: {  	s8 =	sadd.s32 $0xFFFFE003, lr  }
0x1b: {  	s9 =	sadd.s32 $0xFFFFFEF7, lr;
	s5 =	simm.s32 $0xFFFFFFFF;
	p2 =	slt.u32 s8, $0xFFFFF086  }
0x1c: {  	p1 =	slt.u32 s9, $0xF7A;
	s5 =	simm.s32 @!p2 $0x0  }
0x1d: {  	s5 =	simm.s32 @p1 $0x1;
	p0 =	seq.s32 s7, s2  }
0x1e: {  	s7 =	smul.u32 @!p0 $0xF7A, s2;
	p2 =	seq.s32 @!p0 s5, $0x0  }
0x1f: {  	s9 =	smul.u32 $0xF7A, s1;
	s8 =	simm.s32 @!p0 $0x1BF5;
	p2 =	por !p2, p0  }
0x20: {  	[sflag:s8] =	ssyncset.s32 @!p0 $0xFFFFF086;
	s6 =	sadd.s32 @!p0 s3, s7;
	s7 =	simm.s32 @!p0 $0x108  }
0x21: {  	s3 =	sadd.s32 s3, s9;
	s6 =	sadd.s32 @!p0 $0x88, s6;
	s7 =	simm.s32 @p2 $0x1082  }
0x22: {  	[simem:s7], [sflag:s8] =	dma.local @!p0 [hbm:s6], $0xF7A  }
0x23: {  	s9 =	sor.u32 $0xD0000000, s2;
	s6 =	simm.s32 $0x108;
	_ =	swait.ge @!p0 [sflag:s8], $0x0  }
0x24: {  	s3 =	sadd.s32 $0x88, s3;
	s6 =	simm.s32 @!p1 $0x1082;
	[sflag:s4] =	ssyncset.s32 $0xFFFFF086  }
0x25: {  	[simem:s6], [sflag:s4] =	dma.local [hbm:s3], $0xF7A  }
0x26: {  	[smem:$0x3F9B] =	sst s1;
	(tag) =	ssettag s2;
	_ =	strace s9  }
0x27: {  	s1 =	sld [smem:$0x3FAB]  }
0x28: {  	s2 =	sld [smem:$0x3FAC]  }
0x29: {  	s4 =	sld [smem:$0x3FAE]  }
0x2a: {  	p0 =	seq.s32 s5, $0x0;
	s5 =	sld [smem:$0x3FAF]  }
0x2b: {  	s6 =	sld [smem:$0x3FB0]  }
0x2c: {  	s7 =	sld [smem:$0x3FB1]  }
0x2d: {  	s3 =	simm.s32 $0x108;
	s8 =	sld [smem:$0x3FB2]  }
0x2e: {  	s3 =	simm.s32 @!p0 $0x1082;
	s9 =	sld [smem:$0x3FB3]  }
0x2f: {  	lr =	sadd.s32 s0, s3;
	s0 =	sld [smem:$0x3FAA]  }
0x30: {  	s3 =	sld [smem:$0x3FAD]  }
0x31: {  	[smem:$0x3FB6] =	sst s10  }
0x32: {  	s10 =	sld [smem:$0x3FB4];
	_ =	sdelay $0x3  }
0x33: {  	p0 =	seq.s32 s10, $0x1;
	s10 =	sld [smem:$0x3FB6];
	_ =	sdelay $0x3  }
0x34: {  	[smem:$0x3FB6] =	sst s10  }
0x35: {  	s10 =	sld [smem:$0x3FB5];
	_ =	sdelay $0x3  }
0x36: {  	p1 =	seq.s32 s10, $0x1;
	s10 =	sld [smem:$0x3FB6];
	_ =	sdelay $0x3  }
0x37: {  	[smem:$0x3FB6] =	sst s10  }
0x38: {  	s10 =	sld [smem:$0x3FB7]  }
0x39: {  	_ = 	snop;
	(pc) =	sbr.ind lr, $3  }
0x3a: {  	_ = 	snop  }
0x3b: {  	_ = 	snop  }
0x3c: {  	p2 =	seq.s32 s10, $0x1;
	s10 =	sld [smem:$0x3FB6]  }
0x3d: {  	_ =	shalt  }
0x3e: {  	_ =	shalt  }
0x3f: {  	_ =	shalt  }
0x40: {  	_ =	shalt  }
0x41: {  	_ =	shalt  }
0x42: {  	_ =	shalt  }
0x43: {  	_ =	shalt  }
0x44: {  	_ =	shalt  }
0x45: {  	_ =	shalt  }
0x46: {  	_ =	shalt  }
0x47: {  	_ =	shalt  }
0x48: {  	_ =	shalt  }
0x49: {  	_ =	shalt  }
0x4a: {  	_ =	shalt  }
0x4b: {  	_ =	shalt  }
0x4c: {  	_ =	shalt  }
0x4d: {  	_ =	shalt  }
0x4e: {  	_ =	shalt  }
0x4f: {  	_ =	shalt  }
0x50: {  	_ =	shalt  }
0x51: {  	_ =	shalt  }
0x52: {  	_ =	shalt  }
0x53: {  	_ =	shalt  }
0x54: {  	_ =	shalt  }
0x55: {  	_ =	shalt  }
0x56: {  	_ =	shalt  }
0x57: {  	_ =	shalt  }
0x58: {  	_ =	shalt  }
0x59: {  	_ =	shalt  }
0x5a: {  	_ =	shalt  }
0x5b: {  	_ =	shalt  }
0x5c: {  	_ =	shalt  }
0x5d: {  	_ =	shalt  }
0x5e: {  	_ =	shalt  }
0x5f: {  	_ =	shalt  }
0x60: {  	_ =	shalt  }
0x61: {  	_ =	shalt  }
0x62: {  	_ =	shalt  }
0x63: {  	_ =	shalt  }
0x64: {  	_ =	shalt  }
0x65: {  	_ =	shalt  }
0x66: {  	_ =	shalt  }
0x67: {  	_ =	shalt  }
0x68: {  	_ =	shalt  }
0x69: {  	_ =	shalt  }
0x6a: {  	_ =	shalt  }
0x6b: {  	_ =	shalt  }
0x6c: {  	_ =	shalt  }
0x6d: {  	_ =	shalt  }
0x6e: {  	_ =	shalt  }
0x6f: {  	_ =	shalt  }
0x70: {  	_ =	shalt  }
0x71: {  	_ =	shalt  }
0x72: {  	_ =	shalt  }
0x73: {  	_ =	shalt  }
0x74: {  	_ =	shalt  }
0x75: {  	_ =	shalt  }
0x76: {  	_ =	shalt  }
0x77: {  	_ =	shalt  }
0x78: {  	_ =	shalt  }
0x79: {  	_ =	shalt  }
0x7a: {  	_ =	shalt  }
0x7b: {  	_ =	shalt  }
0x7c: {  	_ =	shalt  }
0x7d: {  	_ =	shalt  }
0x7e: {  	_ =	shalt  }
0x7f: {  	_ =	shalt  }
0x80: {  	_ =	shalt  }
0x81: {  	_ =	shalt  }
0x82: {  	_ =	shalt  }
0x83: {  	_ =	shalt  }
0x84: {  	_ =	shalt  }
0x85: {  	_ =	shalt  }
0x86: {  	_ =	shalt  }
0x87: {  	_ =	shalt  }
.Lfunc_end0:
.L_simem_size_0:
called_computation_lowered:
.L_overlay_start_0:
0x88: {  	s0 =	sld [smem:$0x3FD9]  }
0x89: {  	s1 =	sld [smem:$0x3FFE];
	_ =	sdelay $0x3  }
0x8a: {  	s0 =	sadd.s32 s1, s0  }
0x8b: {  	[smem:$0x3FC2] =	sst s0  }
0x8c: {  	_ = 	snop  }
0x8d: {  	s0 =	sld [smem:$0x3FD0];
	(tm) =	ssettm $0x1  }
0x8e: {  	s16 =	sld [smem:$0x3FFB];
	_ =	sdelay $0x3  }
0x8f: {  	_ =	strace s16  }
0x90: {  	s1 =	sld [smem:$0x3FFC];
	_ =	sdelay $0x3  }
0x91: {  	_ =	strace s1  }
0x92: {  	s1 =	sld [smem:$0x3FFD];
	_ =	sdelay $0x3  }
0x93: {  	_ =	strace s1  }
0x94: {  	_ =	strace $0x8FFFFFFF  }
0x95: {  	s17 =	sld [smem:$0x3FDB];
	_ =	sdelay $0x1  }
0x96: {  	s2 =	simm.s32 $_scs_section_size  }
0x97: {  	s3 =	simm.s32 $_size__tile_overlayer_lowered;
	s4 =	simm.s32 $_tile_overlayer_lowered  }
0x98: {  	s20 =	simm.s32 $0x1BFF;
	s19 =	sshll.u32 s4, $0x1;
	s1 =	sadd.s32 s2, s17  }
0x99: {  	s5 =	simm.s32 $0x0;
	s18 =	sshll.u32 s3, $0x1;
	s3 =	sadd.s32 s19, s1  }
0x9a: {  	[timem:s5], [sflag:s20] =	dma.local [hbm:s3], s18  }
0x9b: {  	_ =	swait.ge [sflag:s20], s18  }
0x9c: {  	s2 =	ssub.s32 $0x0, s18;
	[sflag:s20] =	ssyncset.done $0x0  }
0x9d: {  	[sflag:s20] =	ssyncadd.s32 s2;
	_ =	sdelay $0x1  }
0x9e: {  	s21 =	simm.s32 $0x1B8B  }
0x9f: {  	_ =	swait.ge [sflag:s21], $0x1  }
0xa0: {  	[sflag:s21] =	ssyncset.done $0x0  }
0xa1: {  	s23 =	simm.s32 $0x1B8E;
	s22 =	sld [smem:$0x3FFE];
	[sflag:s21] =	ssyncadd.s32 $0xFFFFFFFF  }
0xa2: {  	s24 =	simm.s32 $execute0_lowered;
	[smem:$0x3FD2] =	sst s23  }
0xa3: {  	s3 =	sshll.u32 s24, $0x1;
	_ =	strace $0x80000046;
	[dreg:$0x1] =	wrdreg $0xFFFFFFFF  }
0xa4: {  	s25 =	simm.s32 $_size_execute0_lowered;
	s1 =	sadd.s32 s1, s3;
	[dreg:$0x0] =	wrdreg $0x0  }
0xa5: {  	s3 =	sshll.u32 s25, $0x1;
	[dreg:$0x2] =	wrdreg s1  }
0xa6: {  	[dreg:$0x3] =	wrdreg s3  }
0xa7: {  	[dreg:$0x4] =	wrdreg $0xC0  }
0xa8: {  	_ =	task [dreg:s5], $0x5FFFF  }
0xa9: {  	[dreg:$0x1] =	wrdreg $0xFFFFFFFF  }
0xaa: {  	[dreg:$0x0] =	wrdreg $0x60  }
0xab: {  	[dreg:$0x2] =	wrdreg s22  }
0xac: {  	[dreg:$0x3] =	wrdreg s0  }
0xad: {  	[dreg:$0x4] =	wrdreg $0x192800  }
0xae: {  	[dreg:$0x5] =	wrdreg $0x1BA800  }
0xaf: {  	[dreg:$0x6] =	wrdreg $0x9  }
0xb0: {  	_ =	task.clear_ibuf [dreg:s5], $0x7FFFF;
	_ =	strace $0x90000046  }
0xb1: {  	s26 =	simm.s32 $0x9;
	_ =	strace $0x80000048  }
0xb2: {  	_ =	swait.ge [sflag:s26], $0x1  }
0xb3: {  	[sflag:s26] =	ssyncadd.s32 $0xFFFFFFFF  }
0xb4: {  	_ =	strace $0x90000048  }
0xb5: {  	_ =	sfence  }
0xb6: {  	s28 =	sld [smem:$0x0];
	_ =	sdelay $0x1  }
0xb7: {  	s29 =	srdreg.scid  }
0xb8: {  	s30 =	sshll.u32 s29, $0xD;
	s31 =	sshrl.u32 s29, $0x2  }
0xb9: {  	s2 =	sand.u32 $0x4000, s30;
	s1 =	sand.u32 $0x1, s29;
	s0 =	sadd.s32 s31, s28  }
0xba: {  	s1 =	sor.u32 s2, s1;
	s0 =	sshll.u32 s0, $0x11  }
0xbb: {  	s0 =	sor.u32 s0, s1  }
0xbc: {  	s0 =	sadd.s32 $0x8F2B, s0  }
0xbd: {  	[sflag:s0] =	ssyncadd.remote.s32 $0x1  }
0xbe: {  	_ =	sfence.sel $0xFFFF  }
0xbf: {  	[dreg:$0x0] =	wrdreg $0xFFFFFFFF;
	(pc) =	sbr.abs _section_cstart, $3  }
0xc0: {  	[dreg:$0x1] =	wrdreg $0xFFFFFFFF  }
0xc1: {  	_ =	task.clear_ibuf [dreg:s5], $0x2FFFF;
	_ =	strace $0x9FFFFFFF  }
0xc2: {  	(tm) =	ssettm $0x7FFFFFFF  }
0xc3: {  	_ =	shalt  }
tec
execute0_lowered:
.L_overlay_start_1:
0x0: {  	(tag) =	ssettag $0x1  }
0x1: {  	s6 =	rddreg [dreg:$0x0]  }
0x2: {  	s2 =	rddreg [dreg:$0x1]  }
0x3: {  	s5 =	rddreg [dreg:$0x2]  }
0x4: {  	s4 =	rddreg [dreg:$0x3]  }
0x5: {  	s0 =	rddreg [dreg:$0x4];
	s7 =	simm.s32 $0x0  }
0x6: {  	[smem:$0x7FF] =	sst s7  }
0x7: {  	s1 =	stileid.u32;
	s3 =	sadd.s32 $0x15800, s6;
	_ =	strace $0x80000047  }
0x8: {  	[tilespmem:s7], [sflag:$0x1] =	stream.linear.gather [hbm4b:s3+s7], $0x4F00, $0x38;
	[tilespmem:$0x1BD00] =	vst v63  }
0x9: {  	s8 =	simm.s32 $0x1;
	s3 =	smul.u32 $0x9C4, s1  }
0xa: {  	_ =	swait.ge [sflag:s8], $0x4F00  }
0xb: {  	s9 =	sadd.s32 s3, s6;
	[sflag:s8] =	ssyncset.done $0x0  }
0xc: {  	s10 =	simm.s32 $0x4F00;
	s9 =	sadd.s32 $0xBA00, s9;
	[sflag:s8] =	ssyncadd.s32 $0xFFFFB100  }
0xd: {  	[tilespmem:s10], [sflag:$0x1] =	stream.linear.gather [hbm4b:s9+s7], $0x4E20, $0x38;
	[tilespmem:$0x1BD00] =	vst v63  }
0xe: {  	s30 =	sand.u32 $0xFF80, s3;
	_ =	swait.ge [sflag:s8], $0x4E20  }
0xf: {  	s6 =	sadd.s32 s30, s6;
	[sflag:s8] =	ssyncset.done $0x0  }
0x10: {  	s31 =	simm.s32 $0x9D80;
	s6 =	sadd.s32 $0x1C00, s6;
	[sflag:s8] =	ssyncadd.s32 $0xFFFFB1E0  }
0x11: {  	[tilespmem:s31], [sflag:$0x1] =	stream.linear.gather [hbm4b:s6+s7], $0x5400, $0x38;
	[tilespmem:$0x1BD00] =	vst v63  }
0x12: {  	_ =	swait.ge [sflag:s8], $0x5400  }
0x13: {  	[sflag:s8] =	ssyncset.done $0x0  }
0x14: {  	v0 =	vimm.f32 $0.0e+00;
	s6 =	simm.s32 $0x40;
	s7 =	simm.s32 $0x0;
	[sflag:s8] =	ssyncadd.s32 $0xFFFFAC00  }
.LBB2_1:
0x15: {  	p0 =	sne.s32 s6, $0x9FC0;
	[tilespmem:s7+$0x14000] =	vst v0;
	s7 =	smov.u32 s6;
	s6 =	sadd.s32 $0x40, s6  }
.Ltmp0:
0x16: {  	(pc) =	sbr.rel @p0 .LBB2_1-.Ltmp0, $2  }
0x17: {  	_ =	sdelay $0x2  }
0x18: {  	s7 =	sshra.s32 s7, $0x2  }
0x19: {  	[tilespmem:s7+$0x14000] =	vst v0;
	s6 =	simm.s32 $0x4F00  }
0x1a: {  	v3 =	vld [tilespmem:s6+$0x0];
	_ =	sdelay $0x1  }
0x1b: {  	v1 =	vlaneseq.u32;
	s6 =	simm.s32 $0x0  }
0x1c: {  	s31 =	sand.u32 $0x7C, s3;
	v0 =	vor.u32 s6, v1  }
0x1d: {  	v2 =	vmov s31;
	v4 =	vand.u32 $0x7, v1;
	v5 =	vshrl.u32 v0, $0x3  }
0x1e: {  	v0 =	vmul.u32 $0x80, v4;
	v4 =	vadd.s32 v2, v5;
	v5 =	vshra.s32 v3, $0x10  }
0x1f: {  	v7 =	vand.u32 $0x7F, v3;
	v8 =	vshll.u32 v3, $0x1;
	v6 =	vshll.u32 v5, $0x1  }
0x20: {  	v5 =	vand.u32 $0x7F, v5;
	v8 =	vand.u32 $0x1FF00, v8;
	v6 =	vand.u32 $0xFFFFFF00, v6  }
0x21: {  	v9 =	vshll.u32 v4, $0x3;
	v62 =	vor.u32 v8, v7;
	v5 =	vor.u32 v5, v6  }
0x22: {  	v4 =	vand.u32 $0x7F, v4;
	v63 =	vand.u32 $0x7FFFFC00, v9;
	v6 =	vor.u32 $0x80, v62  }
0x23: {  	v4 =	vor.u32 v63, v4  }
0x24: {  	v4 =	vor.u32 v0, v4;
	_ =	sdelay $0x1  }
0x25: {  	v5 =	vld.idx.msk [tilespmem:v5+s6+$0x0], $0xffff  }
0x26: {  	v6 =	vld.idx.msk [tilespmem:v6+s6+$0x0], $0xffff  }
0x27: {  	s9 =	simm.s32 $0x9D80  }
0x28: {  	v4 =	vld.idx.msk [tilespmem:v4+s9+$0x0], $0xffff;
	_ =	sdelay $0x2  }
0x29: {  	v5 =	vadd.f32 v6, v5;
	_ =	sdelay $0x1  }
0x2a: {  	v4 =	vadd.f32 v5, v4;
	_ =	sdelay $0x1  }
0x2b: {  	v4 =	vmul.f32 $1.442695020e+00, v4;
	_ =	sdelay $0x1  }
0x2c: {  	(erf) = vpow2.f32 v4;
	_ =	sdelay $0x5  }
0x2d: {  	v3 =	vand.u32 $0xFFFF, v3;
	_ =	sdelay $0x2  }
0x2e: {  	s8 =	simm.s32 $0xF180;
	v4 =	vpop (erf)  }
0x2f: {  	s7 =	simm.s32 $0x14000;
	[tilespmem:s8+$0x0] =	vst v4  }
0x30: {  	s10 =	simm.s32 $0x4F10;
	[tilespmem:v3+s7+$0x0] =	vst.idx.add.f32.msk $0xffff, v4  }
0x31: {  	v3 =	vld [tilespmem:s10+$0x0];
	_ =	sdelay $0x1  }
0x32: {  	s11 =	simm.s32 $0x10;
	s12 =	simm.s32 $0x20  }
.LBB2_3:
0x33: {  	p0 =	sne.s32 s12, $0x4E10;
	v4 =	vor.u32 s11, v1;
	s11 =	smov.u32 s12  }
0x34: {  	v4 =	vshrl.u32 v4, $0x3  }
0x35: {  	v4 =	vadd.s32 v2, v4;
	v5 =	vshra.s32 v3, $0x10  }
0x36: {  	v7 =	vand.u32 $0x7F, v3;
	v8 =	vshll.u32 v3, $0x1;
	v6 =	vshll.u32 v5, $0x1  }
0x37: {  	v5 =	vand.u32 $0x7F, v5;
	v8 =	vand.u32 $0x1FF00, v8;
	v6 =	vand.u32 $0xFFFFFF00, v6  }
0x38: {  	v9 =	vshll.u32 v4, $0x3;
	v5 =	vor.u32 v5, v6;
	v6 =	vor.u32 v8, v7  }
0x39: {  	v4 =	vand.u32 $0x7F, v4;
	v7 =	vand.u32 $0x7FFFFC00, v9;
	v6 =	vor.u32 $0x80, v6  }
0x3a: {  	v4 =	vor.u32 v7, v4  }
0x3b: {  	v4 =	vor.u32 v0, v4;
	_ =	sdelay $0x1  }
0x3c: {  	v5 =	vld.idx.msk [tilespmem:v5+s6+$0x0], $0xffff  }
0x3d: {  	v6 =	vld.idx.msk [tilespmem:v6+s6+$0x0], $0xffff;
	_ =	sdelay $0x1  }
0x3e: {  	v4 =	vld.idx.msk [tilespmem:v4+s9+$0x0], $0xffff;
	_ =	sdelay $0x3  }
0x3f: {  	v5 =	vadd.f32 v6, v5;
	_ =	sdelay $0x1  }
0x40: {  	v4 =	vadd.f32 v5, v4;
	_ =	sdelay $0x1  }
0x41: {  	v4 =	vmul.f32 $1.442695020e+00, v4;
	_ =	sdelay $0x1  }
0x42: {  	(erf) = vpow2.f32 v4;
	_ =	sdelay $0x5  }
0x43: {  	v3 =	vand.u32 $0xFFFF, v3;
	_ =	sdelay $0x2  }
0x44: {  	s8 =	sadd.s32 $0x10, s8;
	v4 =	vpop (erf)  }
.Ltmp1:
0x45: {  	[tilespmem:s8+$0x0] =	vst v4;
	(pc) =	sbr.rel @p0 .LBB2_3-.Ltmp1, $3  }
0x46: {  	s10 =	sadd.s32 $0x10, s10;
	[tilespmem:v3+s7+$0x0] =	vst.idx.add.f32.msk $0xffff, v4  }
0x47: {  	v3 =	vld [tilespmem:s10+$0x0];
	_ =	sdelay $0x1  }
0x48: {  	s12 =	sadd.s32 $0x10, s12  }
0x49: {  	v1 =	vor.u32 s11, v1  }
0x4a: {  	v1 =	vshrl.u32 v1, $0x3  }
0x4b: {  	v1 =	vadd.s32 v2, v1;
	v2 =	vshra.s32 v3, $0x10  }
0x4c: {  	v5 =	vand.u32 $0x7F, v3;
	v6 =	vshll.u32 v3, $0x1;
	v4 =	vshll.u32 v2, $0x1  }
0x4d: {  	v2 =	vand.u32 $0x7F, v2;
	v6 =	vand.u32 $0x1FF00, v6;
	v4 =	vand.u32 $0xFFFFFF00, v4  }
0x4e: {  	v7 =	vshll.u32 v1, $0x3;
	v62 =	vor.u32 v6, v5;
	v2 =	vor.u32 v2, v4  }
0x4f: {  	v1 =	vand.u32 $0x7F, v1;
	v63 =	vand.u32 $0x7FFFFC00, v7;
	v4 =	vor.u32 $0x80, v62  }
0x50: {  	v1 =	vor.u32 v63, v1  }
0x51: {  	v0 =	vor.u32 v0, v1;
	_ =	sdelay $0x1  }
0x52: {  	v1 =	vld.idx.msk [tilespmem:v2+s6+$0x0], $0xffff  }
0x53: {  	v2 =	vld.idx.msk [tilespmem:v4+s6+$0x0], $0xffff;
	_ =	sdelay $0x1  }
0x54: {  	v0 =	vld.idx.msk [tilespmem:v0+s9+$0x0], $0xffff;
	_ =	sdelay $0x2  }
0x55: {  	v1 =	vadd.f32 v2, v1;
	_ =	sdelay $0x1  }
0x56: {  	v0 =	vadd.f32 v1, v0;
	_ =	sdelay $0x1  }
0x57: {  	v0 =	vmul.f32 $1.442695020e+00, v0;
	_ =	sdelay $0x1  }
0x58: {  	(erf) = vpow2.f32 v0;
	_ =	sdelay $0x4  }
0x59: {  	s17 =	sshrl.u32 s1, $0x3  }
0x5a: {  	s6 =	smul.u32 $0x50000, s17;
	v0 =	vand.u32 $0xFFFF, v3;
	_ =	sdelay $0x1  }
0x5b: {  	s18 =	sshll.u32 s1, $0x7;
	s6 =	sshrl.u32 s6, $0x2  }
0x5c: {  	s8 =	sadd.s32 $0x10, s8;
	s9 =	sand.u32 $0x380, s18;
	s6 =	sadd.s32 s6, s5;
	v1 =	vpop (erf)  }
0x5d: {  	s19 =	sadd.s32 s9, s6;
	s9 =	simm.s32 $0x400;
	[tilespmem:s8+$0x0] =	vst v1  }
0x5e: {  	s6 =	simm.s32 $0x14000;
	s8 =	simm.s32 $0x1;
	[tilespmem:v0+s7+$0x0] =	vst.idx.add.f32.msk $0xffff, v1;
	s7 =	simm.s32 $0x80  }
0x5f: {  	[spmem:s19] =	stream.strided.scatter [tilespmem:s6], [sflag:$0x1], $0x2800, s9, s7, $0x38;
	[tilespmem:$0x1BD00] =	vst v63  }
0x60: {  	s10 =	smul.u32 $0x5000, s1;
	_ =	swait.ge [sflag:s8], $0x2800  }
0x61: {  	[sflag:s8] =	ssyncset.done $0x0  }
0x62: {  	s10 =	sshrl.u32 s10, $0x2;
	[sflag:s8] =	ssyncadd.s32 $0xFFFFD800  }
0x63: {  	s5 =	sadd.s32 s10, s5;
	[bflag:$0x0] =	sbarrier.arrive $0xFFFF  }
0x64: {  	[tilespmem:s6], [sflag:$0x1] =	stream.strided.gather [spmem:s5], $0x280, s9, s7, $0x38;
	[tilespmem:$0x1BD00] =	vst v63  }
0x65: {  	_ =	swait.ge [sflag:s8], $0x280  }
0x66: {  	[sflag:s8] =	ssyncset.done $0x0  }
0x67: {  	s20 =	simm.s32 $0x14280;
	s10 =	sadd.s32 $0x80, s5;
	[sflag:s8] =	ssyncadd.s32 $0xFFFFFD80  }
0x68: {  	[tilespmem:s20], [sflag:$0x1] =	stream.strided.gather [spmem:s10], $0x280, s9, s7, $0x38;
	[tilespmem:$0x1BD00] =	vst v63  }
0x69: {  	_ =	swait.ge [sflag:s8], $0x280  }
0x6a: {  	[sflag:s8] =	ssyncset.done $0x0  }
0x6b: {  	s22 =	simm.s32 $0x14500;
	s21 =	sadd.s32 $0x100, s5;
	[sflag:s8] =	ssyncadd.s32 $0xFFFFFD80  }
0x6c: {  	[tilespmem:s22], [sflag:$0x1] =	stream.strided.gather [spmem:s21], $0x280, s9, s7, $0x38;
	[tilespmem:$0x1BD00] =	vst v63  }
0x6d: {  	_ =	swait.ge [sflag:s8], $0x280  }
0x6e: {  	[sflag:s8] =	ssyncset.done $0x0  }
0x6f: {  	s24 =	simm.s32 $0x14780;
	s23 =	sadd.s32 $0x180, s5;
	[sflag:s8] =	ssyncadd.s32 $0xFFFFFD80  }
0x70: {  	[tilespmem:s24], [sflag:$0x1] =	stream.strided.gather [spmem:s23], $0x280, s9, s7, $0x38;
	[tilespmem:$0x1BD00] =	vst v63  }
0x71: {  	_ =	swait.ge [sflag:s8], $0x280  }
0x72: {  	[sflag:s8] =	ssyncset.done $0x0  }
0x73: {  	s26 =	simm.s32 $0x14A00;
	s25 =	sadd.s32 $0x200, s5;
	[sflag:s8] =	ssyncadd.s32 $0xFFFFFD80  }
0x74: {  	[tilespmem:s26], [sflag:$0x1] =	stream.strided.gather [spmem:s25], $0x280, s9, s7, $0x38;
	[tilespmem:$0x1BD00] =	vst v63  }
0x75: {  	_ =	swait.ge [sflag:s8], $0x280  }
0x76: {  	[sflag:s8] =	ssyncset.done $0x0  }
0x77: {  	s29 =	simm.s32 $0x14C80;
	s28 =	sadd.s32 $0x280, s5;
	[sflag:s8] =	ssyncadd.s32 $0xFFFFFD80  }
0x78: {  	[tilespmem:s29], [sflag:$0x1] =	stream.strided.gather [spmem:s28], $0x280, s9, s7, $0x38;
	[tilespmem:$0x1BD00] =	vst v63  }
0x79: {  	_ =	swait.ge [sflag:s8], $0x280  }
0x7a: {  	[sflag:s8] =	ssyncset.done $0x0  }
0x7b: {  	s31 =	simm.s32 $0x14F00;
	s30 =	sadd.s32 $0x300, s5;
	[sflag:s8] =	ssyncadd.s32 $0xFFFFFD80  }
0x7c: {  	[tilespmem:s31], [sflag:$0x1] =	stream.strided.gather [spmem:s30], $0x280, s9, s7, $0x38;
	[tilespmem:$0x1BD00] =	vst v63  }
0x7d: {  	_ =	swait.ge [sflag:s8], $0x280  }
0x7e: {  	[sflag:s8] =	ssyncset.done $0x0  }
0x7f: {  	s13 =	simm.s32 $0x15180;
	s12 =	sadd.s32 $0x380, s5;
	[sflag:s8] =	ssyncadd.s32 $0xFFFFFD80  }
0x80: {  	[tilespmem:s13], [sflag:$0x1] =	stream.strided.gather [spmem:s12], $0x280, s9, s7, $0x38;
	[tilespmem:$0x1BD00] =	vst v63  }
0x81: {  	_ =	swait.ge [sflag:s8], $0x280  }
0x82: {  	[sflag:s8] =	ssyncset.done $0x0  }
0x83: {  	s15 =	simm.s32 $0x15400;
	s14 =	sadd.s32 $0x14000, s5;
	[sflag:s8] =	ssyncadd.s32 $0xFFFFFD80  }
0x84: {  	[tilespmem:s15], [sflag:$0x1] =	stream.strided.gather [spmem:s14], $0x280, s9, s7, $0x38;
	[tilespmem:$0x1BD00] =	vst v63  }
0x85: {  	_ =	swait.ge [sflag:s8], $0x280  }
0x86: {  	[sflag:s8] =	ssyncset.done $0x0  }
0x87: {  	s17 =	simm.s32 $0x15680;
	s16 =	sadd.s32 $0x14080, s5;
	[sflag:s8] =	ssyncadd.s32 $0xFFFFFD80  }
0x88: {  	[tilespmem:s17], [sflag:$0x1] =	stream.strided.gather [spmem:s16], $0x280, s9, s7, $0x38;
	[tilespmem:$0x1BD00] =	vst v63  }
0x89: {  	_ =	swait.ge [sflag:s8], $0x280  }
0x8a: {  	[sflag:s8] =	ssyncset.done $0x0  }
0x8b: {  	s18 =	sadd.s32 $0x14100, s5;
	s19 =	simm.s32 $0x15900;
	[sflag:s8] =	ssyncadd.s32 $0xFFFFFD80  }
0x8c: {  	[tilespmem:s19], [sflag:$0x1] =	stream.strided.gather [spmem:s18], $0x280, s9, s7, $0x38;
	[tilespmem:$0x1BD00] =	vst v63  }
0x8d: {  	_ =	swait.ge [sflag:s8], $0x280  }
0x8e: {  	[sflag:s8] =	ssyncset.done $0x0  }
0x8f: {  	s20 =	sadd.s32 $0x14180, s5;
	s21 =	simm.s32 $0x15B80;
	[sflag:s8] =	ssyncadd.s32 $0xFFFFFD80  }
0x90: {  	[tilespmem:s21], [sflag:$0x1] =	stream.strided.gather [spmem:s20], $0x280, s9, s7, $0x38;
	[tilespmem:$0x1BD00] =	vst v63  }
0x91: {  	_ =	swait.ge [sflag:s8], $0x280  }
0x92: {  	[sflag:s8] =	ssyncset.done $0x0  }
0x93: {  	s22 =	sadd.s32 $0x14200, s5;
	s23 =	simm.s32 $0x15E00;
	[sflag:s8] =	ssyncadd.s32 $0xFFFFFD80  }
0x94: {  	[tilespmem:s23], [sflag:$0x1] =	stream.strided.gather [spmem:s22], $0x280, s9, s7, $0x38;
	[tilespmem:$0x1BD00] =	vst v63  }
0x95: {  	_ =	swait.ge [sflag:s8], $0x280  }
0x96: {  	[sflag:s8] =	ssyncset.done $0x0  }
0x97: {  	s24 =	sadd.s32 $0x14280, s5;
	s25 =	simm.s32 $0x16080;
	[sflag:s8] =	ssyncadd.s32 $0xFFFFFD80  }
0x98: {  	[tilespmem:s25], [sflag:$0x1] =	stream.strided.gather [spmem:s24], $0x280, s9, s7, $0x38;
	[tilespmem:$0x1BD00] =	vst v63  }
0x99: {  	_ =	swait.ge [sflag:s8], $0x280  }
0x9a: {  	[sflag:s8] =	ssyncset.done $0x0  }
0x9b: {  	s26 =	sadd.s32 $0x14300, s5;
	s28 =	simm.s32 $0x16300;
	[sflag:s8] =	ssyncadd.s32 $0xFFFFFD80  }
0x9c: {  	[tilespmem:s28], [sflag:$0x1] =	stream.strided.gather [spmem:s26], $0x280, s9, s7, $0x38;
	[tilespmem:$0x1BD00] =	vst v63  }
0x9d: {  	_ =	swait.ge [sflag:s8], $0x280  }
0x9e: {  	[sflag:s8] =	ssyncset.done $0x0  }
0x9f: {  	s5 =	sadd.s32 $0x14380, s5;
	s29 =	simm.s32 $0x16580;
	[sflag:s8] =	ssyncadd.s32 $0xFFFFFD80  }
0xa0: {  	[tilespmem:s29], [sflag:$0x1] =	stream.strided.gather [spmem:s5], $0x280, s9, s7, $0x38;
	[tilespmem:$0x1BD00] =	vst v63  }
0xa1: {  	_ =	swait.ge [sflag:s8], $0x280  }
0xa2: {  	s30 =	simm.s32 $0x0;
	[sflag:s8] =	ssyncset.done $0x0  }
0xa3: {  	s5 =	sand.u32 $0x3F0, s30;
	[sflag:s8] =	ssyncadd.s32 $0xFFFFFD80  }
0xa4: {  	v0 =	vld [tilespmem:s5+$0x14280]  }
0xa5: {  	v1 =	vld [tilespmem:s6+$0x0];
	_ =	sdelay $0x1  }
0xa6: {  	v2 =	vld [tilespmem:s5+$0x14500];
	_ =	sdelay $0x1  }
0xa7: {  	v3 =	vld [tilespmem:s5+$0x14780]  }
0xa8: {  	v0 =	vadd.f32 v0, v1  }
0xa9: {  	v1 =	vld [tilespmem:s5+$0x14A00]  }
0xaa: {  	v0 =	vadd.f32 v2, v0  }
0xab: {  	v2 =	vld [tilespmem:s5+$0x14C80]  }
0xac: {  	v0 =	vadd.f32 v3, v0  }
0xad: {  	v3 =	vld [tilespmem:s5+$0x14F00]  }
0xae: {  	v0 =	vadd.f32 v1, v0  }
0xaf: {  	v1 =	vld [tilespmem:s5+$0x15180]  }
0xb0: {  	v0 =	vadd.f32 v2, v0  }
0xb1: {  	v2 =	vld [tilespmem:s5+$0x15400]  }
0xb2: {  	v0 =	vadd.f32 v3, v0  }
0xb3: {  	v3 =	vld [tilespmem:s5+$0x15680]  }
0xb4: {  	v0 =	vadd.f32 v1, v0  }
0xb5: {  	v1 =	vld [tilespmem:s5+$0x15900]  }
0xb6: {  	v0 =	vadd.f32 v2, v0  }
0xb7: {  	v2 =	vld [tilespmem:s5+$0x15B80]  }
0xb8: {  	v0 =	vadd.f32 v3, v0  }
0xb9: {  	v3 =	vld [tilespmem:s5+$0x15E00]  }
0xba: {  	v0 =	vadd.f32 v1, v0  }
0xbb: {  	v1 =	vld [tilespmem:s5+$0x16080]  }
0xbc: {  	v0 =	vadd.f32 v2, v0  }
0xbd: {  	v2 =	vld [tilespmem:s5+$0x16300]  }
0xbe: {  	v0 =	vadd.f32 v3, v0  }
0xbf: {  	v3 =	vld [tilespmem:s5+$0x16580]  }
0xc0: {  	v0 =	vadd.f32 v1, v0;
	_ =	sdelay $0x1  }
0xc1: {  	v0 =	vadd.f32 v2, v0;
	_ =	sdelay $0x1  }
0xc2: {  	v0 =	vadd.f32 v3, v0  }
0xc3: {  	s31 =	simm.s32 $0x10;
	s5 =	simm.s32 $0x19000  }
0xc4: {  	s6 =	sand.u32 $0x3F0, s31;
	[tilespmem:s5+$0x0] =	vst v0  }
0xc5: {  	s7 =	simm.s32 $0x14010;
	s8 =	simm.s32 $0x20;
	v0 =	vld [tilespmem:s6+$0x14280]  }
.LBB2_5:
0xc6: {  	p0 =	sne.s32 s8, $0x270;
	v1 =	vld [tilespmem:s7+$0x0];
	_ =	sdelay $0x1  }
0xc7: {  	v2 =	vld [tilespmem:s6+$0x14500];
	_ =	sdelay $0x1  }
0xc8: {  	v3 =	vld [tilespmem:s6+$0x14780]  }
0xc9: {  	v0 =	vadd.f32 v0, v1  }
0xca: {  	v1 =	vld [tilespmem:s6+$0x14A00]  }
0xcb: {  	v0 =	vadd.f32 v2, v0  }
0xcc: {  	v2 =	vld [tilespmem:s6+$0x14C80]  }
0xcd: {  	v0 =	vadd.f32 v3, v0  }
0xce: {  	v3 =	vld [tilespmem:s6+$0x14F00]  }
0xcf: {  	v0 =	vadd.f32 v1, v0  }
0xd0: {  	v1 =	vld [tilespmem:s6+$0x15180]  }
0xd1: {  	v0 =	vadd.f32 v2, v0  }
0xd2: {  	v2 =	vld [tilespmem:s6+$0x15400]  }
0xd3: {  	v0 =	vadd.f32 v3, v0  }
0xd4: {  	v3 =	vld [tilespmem:s6+$0x15680]  }
0xd5: {  	v0 =	vadd.f32 v1, v0  }
0xd6: {  	v1 =	vld [tilespmem:s6+$0x15900]  }
0xd7: {  	v0 =	vadd.f32 v2, v0  }
0xd8: {  	v2 =	vld [tilespmem:s6+$0x15B80]  }
0xd9: {  	v0 =	vadd.f32 v3, v0  }
0xda: {  	v3 =	vld [tilespmem:s6+$0x15E00]  }
0xdb: {  	v0 =	vadd.f32 v1, v0  }
0xdc: {  	v1 =	vld [tilespmem:s6+$0x16080]  }
0xdd: {  	v0 =	vadd.f32 v2, v0  }
0xde: {  	v2 =	vld [tilespmem:s6+$0x16300]  }
0xdf: {  	v0 =	vadd.f32 v3, v0  }
0xe0: {  	v3 =	vld [tilespmem:s6+$0x16580]  }
0xe1: {  	v0 =	vadd.f32 v1, v0;
	_ =	sdelay $0x1  }
0xe2: {  	v0 =	vadd.f32 v2, v0  }
.Ltmp2:
0xe3: {  	(pc) =	sbr.rel @p0 .LBB2_5-.Ltmp2, $4  }
0xe4: {  	v0 =	vadd.f32 v3, v0  }
0xe5: {  	s5 =	sadd.s32 $0x10, s5  }
0xe6: {  	s6 =	sand.u32 $0x3F0, s8;
	[tilespmem:s5+$0x0] =	vst v0  }
0xe7: {  	s7 =	sadd.s32 $0x10, s7;
	s8 =	sadd.s32 $0x10, s8;
	v0 =	vld [tilespmem:s6+$0x14280]  }
0xe8: {  	v1 =	vld [tilespmem:s7+$0x0];
	_ =	sdelay $0x1  }
0xe9: {  	v2 =	vld [tilespmem:s6+$0x14500];
	_ =	sdelay $0x1  }
0xea: {  	v3 =	vld [tilespmem:s6+$0x14780]  }
0xeb: {  	v0 =	vadd.f32 v0, v1  }
0xec: {  	v1 =	vld [tilespmem:s6+$0x14A00]  }
0xed: {  	v0 =	vadd.f32 v2, v0  }
0xee: {  	v2 =	vld [tilespmem:s6+$0x14C80]  }
0xef: {  	v0 =	vadd.f32 v3, v0  }
0xf0: {  	v3 =	vld [tilespmem:s6+$0x14F00]  }
0xf1: {  	v0 =	vadd.f32 v1, v0  }
0xf2: {  	v1 =	vld [tilespmem:s6+$0x15180]  }
0xf3: {  	v0 =	vadd.f32 v2, v0  }
0xf4: {  	v2 =	vld [tilespmem:s6+$0x15400]  }
0xf5: {  	v0 =	vadd.f32 v3, v0  }
0xf6: {  	v3 =	vld [tilespmem:s6+$0x15680]  }
0xf7: {  	v0 =	vadd.f32 v1, v0  }
0xf8: {  	v1 =	vld [tilespmem:s6+$0x15900]  }
0xf9: {  	v0 =	vadd.f32 v2, v0  }
0xfa: {  	v2 =	vld [tilespmem:s6+$0x15B80]  }
0xfb: {  	v0 =	vadd.f32 v3, v0  }
0xfc: {  	v3 =	vld [tilespmem:s6+$0x15E00]  }
0xfd: {  	v0 =	vadd.f32 v1, v0  }
0xfe: {  	v1 =	vld [tilespmem:s6+$0x16080]  }
0xff: {  	v0 =	vadd.f32 v2, v0  }
0x100: {  	v2 =	vld [tilespmem:s6+$0x16300]  }
0x101: {  	v0 =	vadd.f32 v3, v0  }
0x102: {  	v3 =	vld [tilespmem:s6+$0x16580]  }
0x103: {  	v0 =	vadd.f32 v1, v0;
	_ =	sdelay $0x1  }
0x104: {  	v0 =	vadd.f32 v2, v0  }
0x105: {  	s28 =	smul.u32 $0xA00, s1  }
0x106: {  	v0 =	vadd.f32 v3, v0  }
0x107: {  	s5 =	sadd.s32 $0x10, s5;
	s6 =	sshrl.u32 s28, $0x2  }
0x108: {  	s30 =	simm.s32 $0x19000;
	s31 =	simm.s32 $0x1;
	s29 =	sadd.s32 s6, s4;
	[tilespmem:s5+$0x0] =	vst v0  }
0x109: {  	[spmem:s29] =	stream.linear.scatter [tilespmem:s30], [sflag:$0x1], $0x280, $0x38;
	[tilespmem:$0x1BD00] =	vst v63  }
0x10a: {  	_ =	swait.ge [sflag:s31], $0x280  }
0x10b: {  	[sflag:s31] =	ssyncset.done $0x0  }
0x10c: {  	[sflag:s31] =	ssyncadd.s32 $0xFFFFFD80  }
0x10d: {  	s5 =	simm.s32 $0x16800;
	[bflag:$0x0] =	sbarrier.arrive $0xFFFF  }
0x10e: {  	[tilespmem:s5], [sflag:$0x1] =	stream.linear.gather [spmem:s4], $0x2800, $0x38;
	[tilespmem:$0x1BD00] =	vst v63  }
0x10f: {  	_ =	swait.ge [sflag:s31], $0x2800  }
0x110: {  	[sflag:s31] =	ssyncset.done $0x0  }
0x111: {  	s4 =	simm.s32 $0x0;
	[sflag:s31] =	ssyncadd.s32 $0xFFFFD800  }
0x112: {  	v0 =	vld [tilespmem:s4+$0x4F00];
	_ =	sdelay $0x4  }
0x113: {  	v0 =	vand.u32 $0xFFFF, v0;
	_ =	sdelay $0x4  }
0x114: {  	v0 =	vld.idx.msk [tilespmem:v0+s5+$0x0], $0xffff;
	_ =	sdelay $0x4  }
0x115: {  	(erf) = vrcp.f32 v0;
	_ =	sdelay $0x2  }
0x116: {  	s6 =	simm.s32 $0x10  }
0x117: {  	s7 =	simm.s32 $0x80;
	v0 =	vld [tilespmem:s6+$0x4F00]  }
.LBB2_7:
0x118: {  	p0 =	sne.s32 s7, $0x13840;
	v1 =	vld [tilespmem:s4+$0xF180];
	_ =	sdelay $0x3  }
0x119: {  	v2 =	vpop (erf)  }
0x11a: {  	v0 =	vand.u32 $0xFFFF, v0;
	v1 =	vmul.f32 v2, v1;
	_ =	sdelay $0x1  }
0x11b: {  	v1 =	vadd.f32 $5.000000000e-01, v1;
	_ =	sdelay $0x1  }
0x11c: {  	[tilespmem:s4+$0xF180] =	vst v1;
	s4 =	smov.u32 s6  }
0x11d: {  	v0 =	vld.idx.msk [tilespmem:v0+s5+$0x0], $0xffff;
	_ =	sdelay $0x5  }
.Ltmp3:
0x11e: {  	(erf) = vrcp.f32 v0;
	(pc) =	sbr.rel @p0 .LBB2_7-.Ltmp3, $3  }
0x11f: {  	_ =	sdelay $0x1  }
0x120: {  	s6 =	sshra.s32 s7, $0x2  }
0x121: {  	s7 =	sadd.s32 $0x40, s7;
	v0 =	vld [tilespmem:s6+$0x4F00]  }
0x122: {  	v1 =	vld [tilespmem:s4+$0xF180];
	_ =	sdelay $0x3  }
0x123: {  	v2 =	vpop (erf)  }
0x124: {  	v0 =	vand.u32 $0xFFFF, v0;
	v1 =	vmul.f32 v2, v1;
	_ =	sdelay $0x1  }
0x125: {  	v1 =	vadd.f32 $5.000000000e-01, v1;
	_ =	sdelay $0x1  }
0x126: {  	[tilespmem:s4+$0xF180] =	vst v1  }
0x127: {  	v0 =	vld.idx.msk [tilespmem:v0+s5+$0x0], $0xffff;
	_ =	sdelay $0x4  }
0x128: {  	(erf) = vrcp.f32 v0;
	_ =	sdelay $0x4  }
0x129: {  	v62 =	vld [tilespmem:s6+$0xF180];
	_ =	sdelay $0x3  }
0x12a: {  	v63 =	vpop (erf)  }
0x12b: {  	v0 =	vmul.f32 v63, v62;
	_ =	sdelay $0x1  }
0x12c: {  	v0 =	vadd.f32 $5.000000000e-01, v0  }
0x12d: {  	s2 =	sadd.s32 s2, s3  }
0x12e: {  	s29 =	simm.s32 $0x0;
	s30 =	simm.s32 $0xF180;
	s31 =	simm.s32 $0x1;
	[tilespmem:s6+$0xF180] =	vst v0  }
0x12f: {  	[hbm4b:s2+s29] =	stream.linear.scatter [tilespmem:s30], [sflag:$0x1], $0x4E20, $0x38;
	[tilespmem:$0x1BD00] =	vst v63  }
0x130: {  	_ =	swait.ge [sflag:s31], $0x4E20  }
0x131: {  	[sflag:s31] =	ssyncset.done $0x0  }
0x132: {  	[sflag:s31] =	ssyncadd.s32 $0xFFFFB1E0  }
0x133: {  	_ =	sfence.sel $0x180000  }
0x134: {  	[bflag:$0x0] =	sbarrier.arrive $0xFFFF  }
0x135: {  	p0 =	sne.s32 s1, $0x0;
	_ =	strace $0x90000047  }
0x136: {  	s0 =	sadd.s32 @!p0 $0x100000, s0;
	[bflag:$0x2] =	sbarrier.arrive $0xFFFF  }
0x137: {  	[sflag:s0] =	ssyncadd.tile.s32 @!p0 $0x1;
	_ =	shalt  }
.Lfunc_end2:
_tile_overlayer_lowered:
.L_overlay_start_2:
0x138: {  	(tag) =	ssettag $0x2  }
0x139: {  	s0 =	rddreg [dreg:$0x0];
	s2 =	stileid.u32  }
0x13a: {  	s1 =	rddreg [dreg:$0x1];
	p0 =	sne.s32 s2, $0x0  }
0x13b: {  	s3 =	rddreg [dreg:$0x2];
	[bflag:$0x3] =	sbarrier.arrive $0xFFFF;
	s2 =	simm.s32 @!p0 $0x1C01  }
0x13c: {  	[timem:s3], [sflag:s2] =	dma.local @!p0 [hbm:s0], s1  }
0x13d: {  	s0 =	simm.s32 @!p0 $0x1  }
0x13e: {  	_ =	swait.ge @!p0 [sflag:s0], s1  }
0x13f: {  	s1 =	ssub.s32 @!p0 $0x0, s1;
	[sflag:s0] =	ssyncset.done @!p0 $0x0  }
0x140: {  	[sflag:s0] =	ssyncadd.s32 @!p0 s1  }
0x141: {  	[bflag:$0x3] =	sbarrier.arrive $0xFFFF  }
0x142: {  	_ =	shalt  }

</sc_bundles>
